<compile_context>
chip_gen: v7x
topology: tpu7x:2x2x1
jax: 0.10.2.dev20260603
libtpu: 0.0.44.dev20260713+nightly
codegen_flags: <defaults>
</compile_context>

<pallas_src>
import functools

import jax
import jax.numpy as jnp
from jax import lax
from jax.experimental import pallas as pl
from jax.experimental.pallas import tpu as pltpu
from jax.experimental.pallas import tpu_sc as plsc

_B = 128
_N = 32768
_TOP_K = 5
_ROWS = 8
_SC_ROWS = 4
_HALF = _N // 2
_CAP = 4096
_NEG = -3.0e38
_BIGIDX = 1 << 30



def _tc_dense_body(e_ref, a_ref, mask_ref, tgt_ref, lm_ref, w_ref,
                   logits_ref, stats_ref):
    w0 = w_ref[0]
    w1 = w_ref[1]
    e = e_ref[...]
    a = a_ref[...]
    e_max = jnp.max(e, axis=1, keepdims=True)
    a_max = jnp.max(a, axis=1, keepdims=True)
    e_lse = jnp.log(jnp.sum(jnp.exp(e - e_max), axis=1, keepdims=True))
    a_lse = jnp.log(jnp.sum(jnp.exp(a - a_max), axis=1, keepdims=True))
    c = (e_max + e_lse) * w0 + (a_max + a_lse) * w1
    bias = jnp.where(mask_ref[...] > 0, 0.0, -999999.0).astype(jnp.float32)
    logits = e * w0 + a * w1 + (bias - c)
    logits_ref[...] = logits

    m = jnp.max(logits, axis=1, keepdims=True)
    logz = jnp.log(jnp.sum(jnp.exp(logits - m), axis=1, keepdims=True)) + m

    iota = lax.broadcasted_iota(jnp.int32, (_ROWS, _N), 1)
    tgt = tgt_ref[...][:, 0:1]
    tgt_logit = jnp.sum(jnp.where(iota == tgt, logits, 0.0), axis=1,
                        keepdims=True)
    lm = lm_ref[...][:, 0:1]
    losses = (logz - tgt_logit) * lm

    col = lax.broadcasted_iota(jnp.int32, (_ROWS, 128), 1)
    stats_ref[...] = jnp.where(col == 0, losses, 0.0)



_QC = 8192
_UNR_A = 8
_UNR_B = 8


def _row_top5(read_chunk, nchunks, iota16, r_v):
    def k_body(k, acc):
        def body(j, carry):
            maxv, runi = carry
            v, ix = read_chunk(j)
            upd = (v > maxv) | ((v == maxv) & (ix < runi))
            return (jnp.where(upd, v, maxv), jnp.where(upd, ix, runi))
        maxv, runi = lax.fori_loop(
            0, nchunks, body,
            (jnp.full((16,), _NEG, jnp.float32),
             jnp.full((16,), _BIGIDX, jnp.int32)))
        m = jnp.max(maxv)
        best = jnp.min(jnp.where(maxv == jnp.broadcast_to(m, (16,)),
                                 runi, _BIGIDX))
        bestv = jnp.broadcast_to(best, (16,))
        plsc.store_scatter(r_v, [jnp.clip(bestv, 0, _N - 1)],
                           jnp.full((16,), _NEG, jnp.float32),
                           mask=iota16 == 0)
        return jnp.where(iota16 == k, bestv, acc)

    return lax.fori_loop(0, _TOP_K, k_body, jnp.zeros((16,), jnp.int32))


def _sc_topk_body(e_hbm, a_hbm, mask_hbm, w0_hbm, w1_hbm, pred_hbm,
                  mask_v, r_v, e0_v, e1_v, a0_v, a1_v, cidx_v,
                  w0_v, w1_v, out_v, sem_e0, sem_e1, sem_a0, sem_a1, sem_m):
    wid = lax.axis_index("s") * 2 + lax.axis_index("c")
    base = wid * _SC_ROWS
    mask_cp = pltpu.async_copy(mask_hbm, mask_v, sem_m)
    pltpu.sync_copy(w0_hbm, w0_v)
    pltpu.sync_copy(w1_hbm, w1_v)
    w0 = w0_v[...]
    w1 = w1_v[...]
    iota16 = lax.iota(jnp.int32, 16)

    e_bufs, a_bufs = (e0_v, e1_v), (a0_v, a1_v)
    sem_e, sem_a = (sem_e0, sem_e1), (sem_a0, sem_a1)

    def issue(row, q, s):
        pltpu.async_copy(
            e_hbm.at[row, pl.ds(q * _QC, _QC)], e_bufs[s], sem_e[s])
        pltpu.async_copy(
            a_hbm.at[row, pl.ds(q * _QC, _QC)], a_bufs[s], sem_a[s])

    def wait_slot(row, q, s):
        pltpu.make_async_copy(
            e_hbm.at[row, pl.ds(q * _QC, _QC)], e_bufs[s], sem_e[s]).wait()
        pltpu.make_async_copy(
            a_hbm.at[row, pl.ds(q * _QC, _QC)], a_bufs[s], sem_a[s]).wait()

    nq = _N // _QC
    issue(base, 0, 0)
    issue(base, 1, 1)
    mask_cp.wait()

    def row_body(row_off, carry):
        row = base + row_off

        lanemax = jnp.full((16,), _NEG, jnp.float32)
        for q in range(nq):
            s = q % 2
            wait_slot(row, q, s)
            eb, ab = e_bufs[s], a_bufs[s]

            @plsc.parallel_loop(0, _QC // 16, unroll=_UNR_A, carry=lanemax)
            def pass_a(i, lm, _q=q, _eb=eb, _ab=ab):
                o = i * 16
                ev = _eb[pl.ds(o, 16)]
                av = _ab[pl.ds(o, 16)]
                mv = mask_v[pl.ds(_q * _QC + o, 16)]
                biasv = jnp.where(mv > 0, 0.0, -999999.0).astype(jnp.float32)
                r = ev * w0 + av * w1 + biasv
                r_v[pl.ds(_q * _QC + o, 16)] = r
                return jnp.maximum(lm, r)

            lanemax = pass_a
            if q + 2 < nq:
                issue(row, q + 2, (q + 2) % 2)
            else:
                nrow = jnp.minimum(row + 1, base + _SC_ROWS - 1)
                issue(nrow, q + 2 - nq, (q + 2) % 2)

        cur5 = lanemax
        for _ in range(_TOP_K - 1):
            mj = jnp.max(cur5)
            cur5 = jnp.where(cur5 == jnp.broadcast_to(mj, (16,)), _NEG, cur5)
        t5v = jnp.broadcast_to(jnp.max(cur5), (16,))

        def pass_b(i, off):
            keeps = []
            idxvs = []
            ka = None
            for u in range(_UNR_B):
                o = i * (16 * _UNR_B) + u * 16
                rv = r_v[pl.ds(o, 16)]
                keep = rv >= t5v
                keeps.append(keep)
                idxvs.append(iota16 + jnp.broadcast_to(o, (16,)))
                ka = keep if ka is None else (ka | keep)

            def do_store():
                counts = jnp.zeros((16,), jnp.int32)
                for u in range(_UNR_B):
                    cnt = plsc.all_reduce_population_count(keeps[u])
                    counts = jnp.where(iota16 == u, cnt, counts)
                incl = plsc.cumsum(counts)
                excl = incl - counts
                for u in range(_UNR_B):
                    pos = off + excl[u]
                    plsc.store_compressed(
                        cidx_v.at[pl.ds(jnp.minimum(pos, _CAP), 16)],
                        idxvs[u], mask=keeps[u])
                return off + incl[_UNR_B - 1]

            return lax.cond(jnp.any(ka), do_store, lambda: off)

        count = lax.fori_loop(0, _N // (16 * _UNR_B), pass_b, jnp.int32(0))

        def from_list():
            def read_chunk(k):
                ix = cidx_v[pl.ds(k * 16, 16)]
                ixc = jnp.clip(ix, 0, _N - 1)
                v = plsc.load_gather(r_v, [ixc])
                pos = iota16 + jnp.broadcast_to(k * 16, (16,))
                valid = pos < jnp.broadcast_to(count, (16,))
                return (jnp.where(valid, v, _NEG),
                        jnp.where(valid, ix, _BIGIDX))
            return _row_top5(read_chunk, (count + 15) // 16, iota16, r_v)

        def from_full_row():
            def read_chunk(k):
                return (r_v[pl.ds(k * 16, 16)],
                        iota16 + jnp.broadcast_to(k * 16, (16,)))
            return _row_top5(read_chunk, _N // 16, iota16, r_v)

        out_v[...] = lax.cond(count <= _CAP, from_list, from_full_row)
        pltpu.sync_copy(out_v, pred_hbm.at[row])
        return carry

    lax.fori_loop(0, _SC_ROWS, row_body, jnp.int32(0))
    wait_slot(base + _SC_ROWS - 1, 0, 0)
    wait_slot(base + _SC_ROWS - 1, 1, 1)


def _sc_topk(e_logits, a_logits, node_filter_mask, w0v, w1v):
    mesh = plsc.VectorSubcoreMesh(core_axis_name="c", subcore_axis_name="s")
    f = functools.partial(
        pl.kernel,
        out_type=jax.ShapeDtypeStruct((_B, 16), jnp.int32),
        mesh=mesh,
        compiler_params=pltpu.CompilerParams(needs_layout_passes=False),
        scratch_types=[
            pltpu.VMEM((_N,), jnp.int32),
            pltpu.VMEM((_N,), jnp.float32),
            pltpu.VMEM((_QC,), jnp.float32),
            pltpu.VMEM((_QC,), jnp.float32),
            pltpu.VMEM((_QC,), jnp.float32),
            pltpu.VMEM((_QC,), jnp.float32),
            pltpu.VMEM((_CAP + 32,), jnp.int32),
            pltpu.VMEM((16,), jnp.float32),
            pltpu.VMEM((16,), jnp.float32),
            pltpu.VMEM((16,), jnp.int32),
            pltpu.SemaphoreType.DMA,
            pltpu.SemaphoreType.DMA,
            pltpu.SemaphoreType.DMA,
            pltpu.SemaphoreType.DMA,
            pltpu.SemaphoreType.DMA,
        ],
    )(_sc_topk_body)
    return f(e_logits, a_logits, node_filter_mask, w0v, w1v)



def kernel(e_logits, a_logits, node_filter_mask, targets, loss_mask, weight):
    mask2d = node_filter_mask.reshape(1, _N)
    tgt2d = jnp.broadcast_to(targets[:, None], (_B, 128))
    lm2d = jnp.broadcast_to(loss_mask[:, None], (_B, 128))
    w0v = jnp.broadcast_to(weight[0:1], (16,))
    w1v = jnp.broadcast_to(weight[1:2], (16,))
    pred = _sc_topk(e_logits, a_logits, node_filter_mask, w0v, w1v)
    logits, stats = pl.pallas_call(
        _tc_dense_body,
        grid=(_B // _ROWS,),
        in_specs=[
            pl.BlockSpec((_ROWS, _N), lambda i: (i, 0)),
            pl.BlockSpec((_ROWS, _N), lambda i: (i, 0)),
            pl.BlockSpec((1, _N), lambda i: (0, 0)),
            pl.BlockSpec((_ROWS, 128), lambda i: (i, 0)),
            pl.BlockSpec((_ROWS, 128), lambda i: (i, 0)),
            pl.BlockSpec(memory_space=pltpu.SMEM),
        ],
        out_specs=[
            pl.BlockSpec((_ROWS, _N), lambda i: (i, 0)),
            pl.BlockSpec((_ROWS, 128), lambda i: (i, 0)),
        ],
        out_shape=[
            jax.ShapeDtypeStruct((_B, _N), jnp.float32),
            jax.ShapeDtypeStruct((_B, 128), jnp.float32),
        ],
    )(e_logits, a_logits, mask2d, tgt2d, lm2d, weight)
    return logits, stats[:, 0], pred[:, :_TOP_K]

# --- scband reference (transcript-rebuilt; emitter-appended) ---
"""Pipeline reference for scband-ensemble-model-48232482734563 (READ-ONLY COPY).

The authoritative reference and input builder live on the scoring server;
editing this copy changes nothing except your own understanding.
"""

import jax, jax.numpy as jnp
import numpy as np

B = 128
N = 32768
TOP_K = 5


def setup_inputs(seed: int = 0) -> dict:
    key = jax.random.key(seed)
    k1, k2, k3, k4 = jax.random.split(key, 4)
    e_logits = jax.random.normal(k1, (B, N), dtype=jnp.float32)
    a_logits = jax.random.normal(k2, (B, N), dtype=jnp.float32)
    node_filter_mask = jax.random.randint(k3, (N,), 0, 2, dtype=jnp.int32)
    targets = jax.random.randint(k4, (B,), 0, N, dtype=jnp.int32)
    # mask = 1 iff target node passes the node filter (mirrors original semantics)
    loss_mask = node_filter_mask[targets].astype(jnp.float32)
    weight = jnp.ones((2,), dtype=jnp.float32)  # learned ensemble weight, init [1.0, 1.0]
    return {
        'e_logits': e_logits,
        'a_logits': a_logits,
        'node_filter_mask': node_filter_mask,
        'targets': targets,
        'loss_mask': loss_mask,
        'weight': weight,
    }


def reference(e_logits, a_logits, node_filter_mask, targets, loss_mask, weight):
    e_logprobs = jax.nn.log_softmax(e_logits, axis=1)
    a_logprobs = jax.nn.log_softmax(a_logits, axis=1)
    logits = e_logprobs * weight[0] + a_logprobs * weight[1]
    log_node_filter_mask = jnp.where(node_filter_mask > 0, 0.0, -999999.0).astype(jnp.float32)
    logits = logits + log_node_filter_mask[None, :]
    # CrossEntropyLoss(reduction='none'): nll of log_softmax(logits) at targets
    logZ = jax.scipy.special.logsumexp(logits, axis=1)
    tgt_logit = jnp.take_along_axis(logits, targets[:, None], axis=1)[:, 0]
    losses = (logZ - tgt_logit) * loss_mask
    top_k = min(TOP_K, N)
    predictions = jax.lax.top_k(logits, top_k)[1]
    return (logits, losses, predictions)

if __name__ == "__main__":
    import jax
    _d = setup_inputs()
    print(jax.jit(kernel)(*tuple(_d.values())))

</pallas_src>

<mosaic_0001>
#map = affine_map<(d0, d1) -> (0, 0)>
#map1 = affine_map<(d0, d1) -> (0)>
module attributes {stable_mosaic.version = 14 : i64} {
  func.func @_sc_topk_body(%arg0: i32, %arg1: i32, %arg2: memref<128x32768xf32, #tpu.memory_space<hbm>>, %arg3: memref<128x32768xf32, #tpu.memory_space<hbm>>, %arg4: memref<32768xi32, #tpu.memory_space<hbm>>, %arg5: memref<16xf32, #tpu.memory_space<hbm>>, %arg6: memref<16xf32, #tpu.memory_space<hbm>>, %arg7: memref<128x16xi32, #tpu.memory_space<hbm>>, %arg8: memref<32768xi32, #tpu.memory_space<vmem>>, %arg9: memref<32768xf32, #tpu.memory_space<vmem>>, %arg10: memref<8192xf32, #tpu.memory_space<vmem>>, %arg11: memref<8192xf32, #tpu.memory_space<vmem>>, %arg12: memref<8192xf32, #tpu.memory_space<vmem>>, %arg13: memref<8192xf32, #tpu.memory_space<vmem>>, %arg14: memref<4128xi32, #tpu.memory_space<vmem>>, %arg15: memref<16xf32, #tpu.memory_space<vmem>>, %arg16: memref<16xf32, #tpu.memory_space<vmem>>, %arg17: memref<16xi32, #tpu.memory_space<vmem>>, %arg18: memref<!tpu.dma_semaphore, #tpu.memory_space<semaphore_mem>>, %arg19: memref<!tpu.dma_semaphore, #tpu.memory_space<semaphore_mem>>, %arg20: memref<!tpu.dma_semaphore, #tpu.memory_space<semaphore_mem>>, %arg21: memref<!tpu.dma_semaphore, #tpu.memory_space<semaphore_mem>>, %arg22: memref<!tpu.dma_semaphore, #tpu.memory_space<semaphore_mem>>) attributes {dimension_semantics = [#tpu.dimension_semantics<core_parallel>, #tpu.dimension_semantics<subcore_parallel>], iteration_bounds = array<i64: 2, 16>, scalar_prefetch = 0 : i64, scratch_operands = 15 : i64, tpu.core_type = #tpu.core_type<sc_vector_subcore>, window_params = [{transform_indices = #map}, {transform_indices = #map}, {transform_indices = #map1}, {transform_indices = #map1}, {transform_indices = #map1}, {transform_indices = #map}]} {
    %mul3A = arith.constant 2 : i32
    %mul3A_0 = arith.muli %arg1, %mul3A : i32
    %add3A = arith.addi %mul3A_0, %arg0 : i32
    %mul3A_1 = arith.constant 4 : i32
    %mul3A_2 = arith.muli %add3A, %mul3A_1 : i32
    tpu.enqueue_dma source(%arg4 : memref<32768xi32, #tpu.memory_space<hbm>>) target(%arg8 : memref<32768xi32, #tpu.memory_space<vmem>>) target_semaphore(%arg22 : memref<!tpu.dma_semaphore, #tpu.memory_space<semaphore_mem>>)
    "tpu.region"() ({
      %run_scoped3A = tpu.sem_alloc : memref<!tpu.dma_semaphore, #tpu.memory_space<semaphore_mem>>
      tpu.enqueue_dma source(%arg5 : memref<16xf32, #tpu.memory_space<hbm>>) target(%arg15 : memref<16xf32, #tpu.memory_space<vmem>>) target_semaphore(%run_scoped3A : memref<!tpu.dma_semaphore, #tpu.memory_space<semaphore_mem>>)
      tpu.wait_dma2 semaphore(%run_scoped3A : memref<!tpu.dma_semaphore, #tpu.memory_space<semaphore_mem>>) src(%arg5 : memref<16xf32, #tpu.memory_space<hbm>>) dst(%arg15 : memref<16xf32, #tpu.memory_space<vmem>>)
      tpu.yield
    }) : () -> ()
    "tpu.region"() ({
      %run_scoped3A = tpu.sem_alloc : memref<!tpu.dma_semaphore, #tpu.memory_space<semaphore_mem>>
      tpu.enqueue_dma source(%arg6 : memref<16xf32, #tpu.memory_space<hbm>>) target(%arg16 : memref<16xf32, #tpu.memory_space<vmem>>) target_semaphore(%run_scoped3A : memref<!tpu.dma_semaphore, #tpu.memory_space<semaphore_mem>>)
      tpu.wait_dma2 semaphore(%run_scoped3A : memref<!tpu.dma_semaphore, #tpu.memory_space<semaphore_mem>>) src(%arg6 : memref<16xf32, #tpu.memory_space<hbm>>) dst(%arg16 : memref<16xf32, #tpu.memory_space<vmem>>)
      tpu.yield
    }) : () -> ()
    %get3A = arith.constant 0 : index
    %get3A_3 = tpu.vector_load %arg15[%get3A] {strides = array<i32>} : memref<16xf32, #tpu.memory_space<vmem>>, vector<16xf32>,
    %get3A_4 = arith.constant 0 : index
    %get3A_5 = tpu.vector_load %arg16[%get3A_4] {strides = array<i32>} : memref<16xf32, #tpu.memory_space<vmem>>, vector<16xf32>,
    %iota3A = tpu.iota {dimensions = array<i32: 0>} : vector<16xi32>
    %dma_start3A = arith.constant 0 : i32
    %dma_start3A_6 = tpu.memref_slice %arg2[%mul3A_2, %dma_start3A] : memref<128x32768xf32, #tpu.memory_space<hbm>> -> memref<1x8192xf32, #tpu.memory_space<hbm>>
    %dma_start3A_7 = tpu.memref_squeeze %dma_start3A_6 : memref<1x8192xf32, #tpu.memory_space<hbm>> -> memref<8192xf32, #tpu.memory_space<hbm>>
    %dma_start3A_8 = arith.constant 0 : i32
    %dma_start3A_9 = tpu.memref_slice %arg2[%mul3A_2, %dma_start3A_8] : memref<128x32768xf32, #tpu.memory_space<hbm>> -> memref<1x8192xf32, #tpu.memory_space<hbm>>
    %dma_start3A_10 = tpu.memref_squeeze %dma_start3A_9 : memref<1x8192xf32, #tpu.memory_space<hbm>> -> memref<8192xf32, #tpu.memory_space<hbm>>
    tpu.enqueue_dma source(%dma_start3A_10 : memref<8192xf32, #tpu.memory_space<hbm>>) target(%arg10 : memref<8192xf32, #tpu.memory_space<vmem>>) target_semaphore(%arg18 : memref<!tpu.dma_semaphore, #tpu.memory_space<semaphore_mem>>)
    %dma_start3A_11 = arith.constant 0 : i32
    %dma_start3A_12 = tpu.memref_slice %arg3[%mul3A_2, %dma_start3A_11] : memref<128x32768xf32, #tpu.memory_space<hbm>> -> memref<1x8192xf32, #tpu.memory_space<hbm>>
    %dma_start3A_13 = tpu.memref_squeeze %dma_start3A_12 : memref<1x8192xf32, #tpu.memory_space<hbm>> -> memref<8192xf32, #tpu.memory_space<hbm>>
    %dma_start3A_14 = arith.constant 0 : i32
    %dma_start3A_15 = tpu.memref_slice %arg3[%mul3A_2, %dma_start3A_14] : memref<128x32768xf32, #tpu.memory_space<hbm>> -> memref<1x8192xf32, #tpu.memory_space<hbm>>
    %dma_start3A_16 = tpu.memref_squeeze %dma_start3A_15 : memref<1x8192xf32, #tpu.memory_space<hbm>> -> memref<8192xf32, #tpu.memory_space<hbm>>
    tpu.enqueue_dma source(%dma_start3A_16 : memref<8192xf32, #tpu.memory_space<hbm>>) target(%arg12 : memref<8192xf32, #tpu.memory_space<vmem>>) target_semaphore(%arg20 : memref<!tpu.dma_semaphore, #tpu.memory_space<semaphore_mem>>)
    %dma_start3A_17 = arith.constant 8192 : i32
    %dma_start3A_18 = tpu.memref_slice %arg2[%mul3A_2, %dma_start3A_17] : memref<128x32768xf32, #tpu.memory_space<hbm>> -> memref<1x8192xf32, #tpu.memory_space<hbm>>
    %dma_start3A_19 = tpu.memref_squeeze %dma_start3A_18 : memref<1x8192xf32, #tpu.memory_space<hbm>> -> memref<8192xf32, #tpu.memory_space<hbm>>
    %dma_start3A_20 = arith.constant 8192 : i32
    %dma_start3A_21 = tpu.memref_slice %arg2[%mul3A_2, %dma_start3A_20] : memref<128x32768xf32, #tpu.memory_space<hbm>> -> memref<1x8192xf32, #tpu.memory_space<hbm>>
    %dma_start3A_22 = tpu.memref_squeeze %dma_start3A_21 : memref<1x8192xf32, #tpu.memory_space<hbm>> -> memref<8192xf32, #tpu.memory_space<hbm>>
    tpu.enqueue_dma source(%dma_start3A_22 : memref<8192xf32, #tpu.memory_space<hbm>>) target(%arg11 : memref<8192xf32, #tpu.memory_space<vmem>>) target_semaphore(%arg19 : memref<!tpu.dma_semaphore, #tpu.memory_space<semaphore_mem>>)
    %dma_start3A_23 = arith.constant 8192 : i32
    %dma_start3A_24 = tpu.memref_slice %arg3[%mul3A_2, %dma_start3A_23] : memref<128x32768xf32, #tpu.memory_space<hbm>> -> memref<1x8192xf32, #tpu.memory_space<hbm>>
    %dma_start3A_25 = tpu.memref_squeeze %dma_start3A_24 : memref<1x8192xf32, #tpu.memory_space<hbm>> -> memref<8192xf32, #tpu.memory_space<hbm>>
    %dma_start3A_26 = arith.constant 8192 : i32
    %dma_start3A_27 = tpu.memref_slice %arg3[%mul3A_2, %dma_start3A_26] : memref<128x32768xf32, #tpu.memory_space<hbm>> -> memref<1x8192xf32, #tpu.memory_space<hbm>>
    %dma_start3A_28 = tpu.memref_squeeze %dma_start3A_27 : memref<1x8192xf32, #tpu.memory_space<hbm>> -> memref<8192xf32, #tpu.memory_space<hbm>>
    tpu.enqueue_dma source(%dma_start3A_28 : memref<8192xf32, #tpu.memory_space<hbm>>) target(%arg13 : memref<8192xf32, #tpu.memory_space<vmem>>) target_semaphore(%arg21 : memref<!tpu.dma_semaphore, #tpu.memory_space<semaphore_mem>>)
    tpu.wait_dma2 semaphore(%arg22 : memref<!tpu.dma_semaphore, #tpu.memory_space<semaphore_mem>>) src(%arg4 : memref<32768xi32, #tpu.memory_space<hbm>>) dst(%arg8 : memref<32768xi32, #tpu.memory_space<vmem>>)
    %scan3A = arith.constant 0 : i32
    %scan3A_29 = arith.constant 0 : i32
    %scan3A_30 = arith.constant 4 : i32
    %scan3A_31 = arith.addi %scan3A_29, %scan3A_30 : i32
    %scan3A_32 = arith.constant 1 : i32
    scf.for %scan3A_64 = %scan3A_29 to %scan3A_31 step %scan3A_32  : i32 {
      %add3A_65 = arith.addi %mul3A_2, %scan3A_64 : i32
      %broadcast_in_dim3A = arith.constant -3.000000e+38 : f32
      %broadcast_in_dim3A_66 = vector.broadcast %broadcast_in_dim3A : f32 to vector<16xf32>
      %dma_wait3A_67 = arith.constant 0 : i32
      %dma_wait3A_68 = tpu.memref_slice %arg2[%add3A_65, %dma_wait3A_67] : memref<128x32768xf32, #tpu.memory_space<hbm>> -> memref<1x8192xf32, #tpu.memory_space<hbm>>
      %dma_wait3A_69 = tpu.memref_squeeze %dma_wait3A_68 : memref<1x8192xf32, #tpu.memory_space<hbm>> -> memref<8192xf32, #tpu.memory_space<hbm>>
      %dma_wait3A_70 = arith.constant 0 : i32
      %dma_wait3A_71 = tpu.memref_slice %arg2[%add3A_65, %dma_wait3A_70] : memref<128x32768xf32, #tpu.memory_space<hbm>> -> memref<1x8192xf32, #tpu.memory_space<hbm>>
      %dma_wait3A_72 = tpu.memref_squeeze %dma_wait3A_71 : memref<1x8192xf32, #tpu.memory_space<hbm>> -> memref<8192xf32, #tpu.memory_space<hbm>>
      tpu.wait_dma2 semaphore(%arg18 : memref<!tpu.dma_semaphore, #tpu.memory_space<semaphore_mem>>) src(%dma_wait3A_72 : memref<8192xf32, #tpu.memory_space<hbm>>) dst(%arg10 : memref<8192xf32, #tpu.memory_space<vmem>>)
      %dma_wait3A_73 = arith.constant 0 : i32
      %dma_wait3A_74 = tpu.memref_slice %arg3[%add3A_65, %dma_wait3A_73] : memref<128x32768xf32, #tpu.memory_space<hbm>> -> memref<1x8192xf32, #tpu.memory_space<hbm>>
      %dma_wait3A_75 = tpu.memref_squeeze %dma_wait3A_74 : memref<1x8192xf32, #tpu.memory_space<hbm>> -> memref<8192xf32, #tpu.memory_space<hbm>>
      %dma_wait3A_76 = arith.constant 0 : i32
      %dma_wait3A_77 = tpu.memref_slice %arg3[%add3A_65, %dma_wait3A_76] : memref<128x32768xf32, #tpu.memory_space<hbm>> -> memref<1x8192xf32, #tpu.memory_space<hbm>>
      %dma_wait3A_78 = tpu.memref_squeeze %dma_wait3A_77 : memref<1x8192xf32, #tpu.memory_space<hbm>> -> memref<8192xf32, #tpu.memory_space<hbm>>
      tpu.wait_dma2 semaphore(%arg20 : memref<!tpu.dma_semaphore, #tpu.memory_space<semaphore_mem>>) src(%dma_wait3A_78 : memref<8192xf32, #tpu.memory_space<hbm>>) dst(%arg12 : memref<8192xf32, #tpu.memory_space<vmem>>)
      %parallel_loop3A = arith.constant 0 : i32
      %parallel_loop3A_79 = arith.constant 512 : i32
      %parallel_loop3A_80 = arith.constant 1 : i32
      %parallel_loop3A_81 = scf.for %parallel_loop3A_239 = %parallel_loop3A to %parallel_loop3A_79 step %parallel_loop3A_80 iter_args(%parallel_loop3A_240 = %broadcast_in_dim3A_66) -> (vector<16xf32>)  : i32 {
        %parallel_loop3A_241 = arith.constant 16 : i32
        %parallel_loop3A_242 = arith.muli %parallel_loop3A_239, %parallel_loop3A_241 : i32
        %parallel_loop3A_243 = arith.index_cast %parallel_loop3A_242 : i32 to index
        %parallel_loop3A_244 = tpu.vector_load %arg10[%parallel_loop3A_243] {strides = array<i32>} : memref<8192xf32, #tpu.memory_space<vmem>>, vector<16xf32>,
        %parallel_loop3A_245 = arith.index_cast %parallel_loop3A_242 : i32 to index
        %parallel_loop3A_246 = tpu.vector_load %arg12[%parallel_loop3A_245] {strides = array<i32>} : memref<8192xf32, #tpu.memory_space<vmem>>, vector<16xf32>,
        %parallel_loop3A_247 = arith.constant 0 : i32
        %parallel_loop3A_248 = arith.addi %parallel_loop3A_247, %parallel_loop3A_242 : i32
        %parallel_loop3A_249 = arith.index_cast %parallel_loop3A_248 : i32 to index
        %parallel_loop3A_250 = tpu.vector_load %arg8[%parallel_loop3A_249] {strides = array<i32>} : memref<32768xi32, #tpu.memory_space<vmem>>, vector<16xi32>,
        %parallel_loop3A_251 = arith.constant 0 : i32
        %parallel_loop3A_252 = vector.broadcast %parallel_loop3A_251 : i32 to vector<16xi32>
        %parallel_loop3A_253 = arith.cmpi sgt, %parallel_loop3A_250, %parallel_loop3A_252 : vector<16xi32>
        %parallel_loop3A_254 = arith.constant 0.000000e+00 : f32
        %parallel_loop3A_255 = arith.constant -9.999990e+05 : f32
        %parallel_loop3A_256 = vector.broadcast %parallel_loop3A_254 : f32 to vector<16xf32>
        %parallel_loop3A_257 = vector.broadcast %parallel_loop3A_255 : f32 to vector<16xf32>
        %parallel_loop3A_258 = arith.select %parallel_loop3A_253, %parallel_loop3A_256, %parallel_loop3A_257 : vector<16xi1>, vector<16xf32>
        %parallel_loop3A_259 = arith.mulf %parallel_loop3A_244, %get3A_3 : vector<16xf32>
        %parallel_loop3A_260 = arith.mulf %parallel_loop3A_246, %get3A_5 : vector<16xf32>
        %parallel_loop3A_261 = arith.addf %parallel_loop3A_259, %parallel_loop3A_260 : vector<16xf32>
        %parallel_loop3A_262 = arith.addf %parallel_loop3A_261, %parallel_loop3A_258 : vector<16xf32>
        %parallel_loop3A_263 = arith.constant 0 : i32
        %parallel_loop3A_264 = arith.addi %parallel_loop3A_263, %parallel_loop3A_242 : i32
        %parallel_loop3A_265 = arith.index_cast %parallel_loop3A_264 : i32 to index
        %parallel_loop3A_266 = tpu.vector_load %arg9[%parallel_loop3A_265] {strides = array<i32>} : memref<32768xf32, #tpu.memory_space<vmem>>, vector<16xf32>,
        tpu.vector_store %arg9[%parallel_loop3A_265], %parallel_loop3A_262 {strides = array<i32>} : memref<32768xf32, #tpu.memory_space<vmem>>, vector<16xf32>,
        %parallel_loop3A_267 = arith.maximumf %parallel_loop3A_240, %parallel_loop3A_262 : vector<16xf32>
        scf.yield %parallel_loop3A_267 : vector<16xf32>
      } {sc.loop_unroll_factor = 8 : i64, sc.parallel_access}
      %dma_start3A_82 = arith.constant 16384 : i32
      %dma_start3A_83 = tpu.memref_slice %arg2[%add3A_65, %dma_start3A_82] : memref<128x32768xf32, #tpu.memory_space<hbm>> -> memref<1x8192xf32, #tpu.memory_space<hbm>>
      %dma_start3A_84 = tpu.memref_squeeze %dma_start3A_83 : memref<1x8192xf32, #tpu.memory_space<hbm>> -> memref<8192xf32, #tpu.memory_space<hbm>>
      %dma_start3A_85 = arith.constant 16384 : i32
      %dma_start3A_86 = tpu.memref_slice %arg2[%add3A_65, %dma_start3A_85] : memref<128x32768xf32, #tpu.memory_space<hbm>> -> memref<1x8192xf32, #tpu.memory_space<hbm>>
      %dma_start3A_87 = tpu.memref_squeeze %dma_start3A_86 : memref<1x8192xf32, #tpu.memory_space<hbm>> -> memref<8192xf32, #tpu.memory_space<hbm>>
      tpu.enqueue_dma source(%dma_start3A_87 : memref<8192xf32, #tpu.memory_space<hbm>>) target(%arg10 : memref<8192xf32, #tpu.memory_space<vmem>>) target_semaphore(%arg18 : memref<!tpu.dma_semaphore, #tpu.memory_space<semaphore_mem>>)
      %dma_start3A_88 = arith.constant 16384 : i32
      %dma_start3A_89 = tpu.memref_slice %arg3[%add3A_65, %dma_start3A_88] : memref<128x32768xf32, #tpu.memory_space<hbm>> -> memref<1x8192xf32, #tpu.memory_space<hbm>>
      %dma_start3A_90 = tpu.memref_squeeze %dma_start3A_89 : memref<1x8192xf32, #tpu.memory_space<hbm>> -> memref<8192xf32, #tpu.memory_space<hbm>>
      %dma_start3A_91 = arith.constant 16384 : i32
      %dma_start3A_92 = tpu.memref_slice %arg3[%add3A_65, %dma_start3A_91] : memref<128x32768xf32, #tpu.memory_space<hbm>> -> memref<1x8192xf32, #tpu.memory_space<hbm>>
      %dma_start3A_93 = tpu.memref_squeeze %dma_start3A_92 : memref<1x8192xf32, #tpu.memory_space<hbm>> -> memref<8192xf32, #tpu.memory_space<hbm>>
      tpu.enqueue_dma source(%dma_start3A_93 : memref<8192xf32, #tpu.memory_space<hbm>>) target(%arg12 : memref<8192xf32, #tpu.memory_space<vmem>>) target_semaphore(%arg20 : memref<!tpu.dma_semaphore, #tpu.memory_space<semaphore_mem>>)
      %dma_wait3A_94 = arith.constant 8192 : i32
      %dma_wait3A_95 = tpu.memref_slice %arg2[%add3A_65, %dma_wait3A_94] : memref<128x32768xf32, #tpu.memory_space<hbm>> -> memref<1x8192xf32, #tpu.memory_space<hbm>>
      %dma_wait3A_96 = tpu.memref_squeeze %dma_wait3A_95 : memref<1x8192xf32, #tpu.memory_space<hbm>> -> memref<8192xf32, #tpu.memory_space<hbm>>
      %dma_wait3A_97 = arith.constant 8192 : i32
      %dma_wait3A_98 = tpu.memref_slice %arg2[%add3A_65, %dma_wait3A_97] : memref<128x32768xf32, #tpu.memory_space<hbm>> -> memref<1x8192xf32, #tpu.memory_space<hbm>>
      %dma_wait3A_99 = tpu.memref_squeeze %dma_wait3A_98 : memref<1x8192xf32, #tpu.memory_space<hbm>> -> memref<8192xf32, #tpu.memory_space<hbm>>
      tpu.wait_dma2 semaphore(%arg19 : memref<!tpu.dma_semaphore, #tpu.memory_space<semaphore_mem>>) src(%dma_wait3A_99 : memref<8192xf32, #tpu.memory_space<hbm>>) dst(%arg11 : memref<8192xf32, #tpu.memory_space<vmem>>)
      %dma_wait3A_100 = arith.constant 8192 : i32
      %dma_wait3A_101 = tpu.memref_slice %arg3[%add3A_65, %dma_wait3A_100] : memref<128x32768xf32, #tpu.memory_space<hbm>> -> memref<1x8192xf32, #tpu.memory_space<hbm>>
      %dma_wait3A_102 = tpu.memref_squeeze %dma_wait3A_101 : memref<1x8192xf32, #tpu.memory_space<hbm>> -> memref<8192xf32, #tpu.memory_space<hbm>>
      %dma_wait3A_103 = arith.constant 8192 : i32
      %dma_wait3A_104 = tpu.memref_slice %arg3[%add3A_65, %dma_wait3A_103] : memref<128x32768xf32, #tpu.memory_space<hbm>> -> memref<1x8192xf32, #tpu.memory_space<hbm>>
      %dma_wait3A_105 = tpu.memref_squeeze %dma_wait3A_104 : memref<1x8192xf32, #tpu.memory_space<hbm>> -> memref<8192xf32, #tpu.memory_space<hbm>>
      tpu.wait_dma2 semaphore(%arg21 : memref<!tpu.dma_semaphore, #tpu.memory_space<semaphore_mem>>) src(%dma_wait3A_105 : memref<8192xf32, #tpu.memory_space<hbm>>) dst(%arg13 : memref<8192xf32, #tpu.memory_space<vmem>>)
      %parallel_loop3A_106 = arith.constant 0 : i32
      %parallel_loop3A_107 = arith.constant 512 : i32
      %parallel_loop3A_108 = arith.constant 1 : i32
      %parallel_loop3A_109 = scf.for %parallel_loop3A_239 = %parallel_loop3A_106 to %parallel_loop3A_107 step %parallel_loop3A_108 iter_args(%parallel_loop3A_240 = %parallel_loop3A_81) -> (vector<16xf32>)  : i32 {
        %parallel_loop3A_241 = arith.constant 16 : i32
        %parallel_loop3A_242 = arith.muli %parallel_loop3A_239, %parallel_loop3A_241 : i32
        %parallel_loop3A_243 = arith.index_cast %parallel_loop3A_242 : i32 to index
        %parallel_loop3A_244 = tpu.vector_load %arg11[%parallel_loop3A_243] {strides = array<i32>} : memref<8192xf32, #tpu.memory_space<vmem>>, vector<16xf32>,
        %parallel_loop3A_245 = arith.index_cast %parallel_loop3A_242 : i32 to index
        %parallel_loop3A_246 = tpu.vector_load %arg13[%parallel_loop3A_245] {strides = array<i32>} : memref<8192xf32, #tpu.memory_space<vmem>>, vector<16xf32>,
        %parallel_loop3A_247 = arith.constant 8192 : i32
        %parallel_loop3A_248 = arith.addi %parallel_loop3A_247, %parallel_loop3A_242 : i32
        %parallel_loop3A_249 = arith.index_cast %parallel_loop3A_248 : i32 to index
        %parallel_loop3A_250 = tpu.vector_load %arg8[%parallel_loop3A_249] {strides = array<i32>} : memref<32768xi32, #tpu.memory_space<vmem>>, vector<16xi32>,
        %parallel_loop3A_251 = arith.constant 0 : i32
        %parallel_loop3A_252 = vector.broadcast %parallel_loop3A_251 : i32 to vector<16xi32>
        %parallel_loop3A_253 = arith.cmpi sgt, %parallel_loop3A_250, %parallel_loop3A_252 : vector<16xi32>
        %parallel_loop3A_254 = arith.constant 0.000000e+00 : f32
        %parallel_loop3A_255 = arith.constant -9.999990e+05 : f32
        %parallel_loop3A_256 = vector.broadcast %parallel_loop3A_254 : f32 to vector<16xf32>
        %parallel_loop3A_257 = vector.broadcast %parallel_loop3A_255 : f32 to vector<16xf32>
        %parallel_loop3A_258 = arith.select %parallel_loop3A_253, %parallel_loop3A_256, %parallel_loop3A_257 : vector<16xi1>, vector<16xf32>
        %parallel_loop3A_259 = arith.mulf %parallel_loop3A_244, %get3A_3 : vector<16xf32>
        %parallel_loop3A_260 = arith.mulf %parallel_loop3A_246, %get3A_5 : vector<16xf32>
        %parallel_loop3A_261 = arith.addf %parallel_loop3A_259, %parallel_loop3A_260 : vector<16xf32>
        %parallel_loop3A_262 = arith.addf %parallel_loop3A_261, %parallel_loop3A_258 : vector<16xf32>
        %parallel_loop3A_263 = arith.constant 8192 : i32
        %parallel_loop3A_264 = arith.addi %parallel_loop3A_263, %parallel_loop3A_242 : i32
        %parallel_loop3A_265 = arith.index_cast %parallel_loop3A_264 : i32 to index
        %parallel_loop3A_266 = tpu.vector_load %arg9[%parallel_loop3A_265] {strides = array<i32>} : memref<32768xf32, #tpu.memory_space<vmem>>, vector<16xf32>,
        tpu.vector_store %arg9[%parallel_loop3A_265], %parallel_loop3A_262 {strides = array<i32>} : memref<32768xf32, #tpu.memory_space<vmem>>, vector<16xf32>,
        %parallel_loop3A_267 = arith.maximumf %parallel_loop3A_240, %parallel_loop3A_262 : vector<16xf32>
        scf.yield %parallel_loop3A_267 : vector<16xf32>
      } {sc.loop_unroll_factor = 8 : i64, sc.parallel_access}
      %dma_start3A_110 = arith.constant 24576 : i32
      %dma_start3A_111 = tpu.memref_slice %arg2[%add3A_65, %dma_start3A_110] : memref<128x32768xf32, #tpu.memory_space<hbm>> -> memref<1x8192xf32, #tpu.memory_space<hbm>>
      %dma_start3A_112 = tpu.memref_squeeze %dma_start3A_111 : memref<1x8192xf32, #tpu.memory_space<hbm>> -> memref<8192xf32, #tpu.memory_space<hbm>>
      %dma_start3A_113 = arith.constant 24576 : i32
      %dma_start3A_114 = tpu.memref_slice %arg2[%add3A_65, %dma_start3A_113] : memref<128x32768xf32, #tpu.memory_space<hbm>> -> memref<1x8192xf32, #tpu.memory_space<hbm>>
      %dma_start3A_115 = tpu.memref_squeeze %dma_start3A_114 : memref<1x8192xf32, #tpu.memory_space<hbm>> -> memref<8192xf32, #tpu.memory_space<hbm>>
      tpu.enqueue_dma source(%dma_start3A_115 : memref<8192xf32, #tpu.memory_space<hbm>>) target(%arg11 : memref<8192xf32, #tpu.memory_space<vmem>>) target_semaphore(%arg19 : memref<!tpu.dma_semaphore, #tpu.memory_space<semaphore_mem>>)
      %dma_start3A_116 = arith.constant 24576 : i32
      %dma_start3A_117 = tpu.memref_slice %arg3[%add3A_65, %dma_start3A_116] : memref<128x32768xf32, #tpu.memory_space<hbm>> -> memref<1x8192xf32, #tpu.memory_space<hbm>>
      %dma_start3A_118 = tpu.memref_squeeze %dma_start3A_117 : memref<1x8192xf32, #tpu.memory_space<hbm>> -> memref<8192xf32, #tpu.memory_space<hbm>>
      %dma_start3A_119 = arith.constant 24576 : i32
      %dma_start3A_120 = tpu.memref_slice %arg3[%add3A_65, %dma_start3A_119] : memref<128x32768xf32, #tpu.memory_space<hbm>> -> memref<1x8192xf32, #tpu.memory_space<hbm>>
      %dma_start3A_121 = tpu.memref_squeeze %dma_start3A_120 : memref<1x8192xf32, #tpu.memory_space<hbm>> -> memref<8192xf32, #tpu.memory_space<hbm>>
      tpu.enqueue_dma source(%dma_start3A_121 : memref<8192xf32, #tpu.memory_space<hbm>>) target(%arg13 : memref<8192xf32, #tpu.memory_space<vmem>>) target_semaphore(%arg21 : memref<!tpu.dma_semaphore, #tpu.memory_space<semaphore_mem>>)
      %dma_wait3A_122 = arith.constant 16384 : i32
      %dma_wait3A_123 = tpu.memref_slice %arg2[%add3A_65, %dma_wait3A_122] : memref<128x32768xf32, #tpu.memory_space<hbm>> -> memref<1x8192xf32, #tpu.memory_space<hbm>>
      %dma_wait3A_124 = tpu.memref_squeeze %dma_wait3A_123 : memref<1x8192xf32, #tpu.memory_space<hbm>> -> memref<8192xf32, #tpu.memory_space<hbm>>
      %dma_wait3A_125 = arith.constant 16384 : i32
      %dma_wait3A_126 = tpu.memref_slice %arg2[%add3A_65, %dma_wait3A_125] : memref<128x32768xf32, #tpu.memory_space<hbm>> -> memref<1x8192xf32, #tpu.memory_space<hbm>>
      %dma_wait3A_127 = tpu.memref_squeeze %dma_wait3A_126 : memref<1x8192xf32, #tpu.memory_space<hbm>> -> memref<8192xf32, #tpu.memory_space<hbm>>
      tpu.wait_dma2 semaphore(%arg18 : memref<!tpu.dma_semaphore, #tpu.memory_space<semaphore_mem>>) src(%dma_wait3A_127 : memref<8192xf32, #tpu.memory_space<hbm>>) dst(%arg10 : memref<8192xf32, #tpu.memory_space<vmem>>)
      %dma_wait3A_128 = arith.constant 16384 : i32
      %dma_wait3A_129 = tpu.memref_slice %arg3[%add3A_65, %dma_wait3A_128] : memref<128x32768xf32, #tpu.memory_space<hbm>> -> memref<1x8192xf32, #tpu.memory_space<hbm>>
      %dma_wait3A_130 = tpu.memref_squeeze %dma_wait3A_129 : memref<1x8192xf32, #tpu.memory_space<hbm>> -> memref<8192xf32, #tpu.memory_space<hbm>>
      %dma_wait3A_131 = arith.constant 16384 : i32
      %dma_wait3A_132 = tpu.memref_slice %arg3[%add3A_65, %dma_wait3A_131] : memref<128x32768xf32, #tpu.memory_space<hbm>> -> memref<1x8192xf32, #tpu.memory_space<hbm>>
      %dma_wait3A_133 = tpu.memref_squeeze %dma_wait3A_132 : memref<1x8192xf32, #tpu.memory_space<hbm>> -> memref<8192xf32, #tpu.memory_space<hbm>>
      tpu.wait_dma2 semaphore(%arg20 : memref<!tpu.dma_semaphore, #tpu.memory_space<semaphore_mem>>) src(%dma_wait3A_133 : memref<8192xf32, #tpu.memory_space<hbm>>) dst(%arg12 : memref<8192xf32, #tpu.memory_space<vmem>>)
      %parallel_loop3A_134 = arith.constant 0 : i32
      %parallel_loop3A_135 = arith.constant 512 : i32
      %parallel_loop3A_136 = arith.constant 1 : i32
      %parallel_loop3A_137 = scf.for %parallel_loop3A_239 = %parallel_loop3A_134 to %parallel_loop3A_135 step %parallel_loop3A_136 iter_args(%parallel_loop3A_240 = %parallel_loop3A_109) -> (vector<16xf32>)  : i32 {
        %parallel_loop3A_241 = arith.constant 16 : i32
        %parallel_loop3A_242 = arith.muli %parallel_loop3A_239, %parallel_loop3A_241 : i32
        %parallel_loop3A_243 = arith.index_cast %parallel_loop3A_242 : i32 to index
        %parallel_loop3A_244 = tpu.vector_load %arg10[%parallel_loop3A_243] {strides = array<i32>} : memref<8192xf32, #tpu.memory_space<vmem>>, vector<16xf32>,
        %parallel_loop3A_245 = arith.index_cast %parallel_loop3A_242 : i32 to index
        %parallel_loop3A_246 = tpu.vector_load %arg12[%parallel_loop3A_245] {strides = array<i32>} : memref<8192xf32, #tpu.memory_space<vmem>>, vector<16xf32>,
        %parallel_loop3A_247 = arith.constant 16384 : i32
        %parallel_loop3A_248 = arith.addi %parallel_loop3A_247, %parallel_loop3A_242 : i32
        %parallel_loop3A_249 = arith.index_cast %parallel_loop3A_248 : i32 to index
        %parallel_loop3A_250 = tpu.vector_load %arg8[%parallel_loop3A_249] {strides = array<i32>} : memref<32768xi32, #tpu.memory_space<vmem>>, vector<16xi32>,
        %parallel_loop3A_251 = arith.constant 0 : i32
        %parallel_loop3A_252 = vector.broadcast %parallel_loop3A_251 : i32 to vector<16xi32>
        %parallel_loop3A_253 = arith.cmpi sgt, %parallel_loop3A_250, %parallel_loop3A_252 : vector<16xi32>
        %parallel_loop3A_254 = arith.constant 0.000000e+00 : f32
        %parallel_loop3A_255 = arith.constant -9.999990e+05 : f32
        %parallel_loop3A_256 = vector.broadcast %parallel_loop3A_254 : f32 to vector<16xf32>
        %parallel_loop3A_257 = vector.broadcast %parallel_loop3A_255 : f32 to vector<16xf32>
        %parallel_loop3A_258 = arith.select %parallel_loop3A_253, %parallel_loop3A_256, %parallel_loop3A_257 : vector<16xi1>, vector<16xf32>
        %parallel_loop3A_259 = arith.mulf %parallel_loop3A_244, %get3A_3 : vector<16xf32>
        %parallel_loop3A_260 = arith.mulf %parallel_loop3A_246, %get3A_5 : vector<16xf32>
        %parallel_loop3A_261 = arith.addf %parallel_loop3A_259, %parallel_loop3A_260 : vector<16xf32>
        %parallel_loop3A_262 = arith.addf %parallel_loop3A_261, %parallel_loop3A_258 : vector<16xf32>
        %parallel_loop3A_263 = arith.constant 16384 : i32
        %parallel_loop3A_264 = arith.addi %parallel_loop3A_263, %parallel_loop3A_242 : i32
        %parallel_loop3A_265 = arith.index_cast %parallel_loop3A_264 : i32 to index
        %parallel_loop3A_266 = tpu.vector_load %arg9[%parallel_loop3A_265] {strides = array<i32>} : memref<32768xf32, #tpu.memory_space<vmem>>, vector<16xf32>,
        tpu.vector_store %arg9[%parallel_loop3A_265], %parallel_loop3A_262 {strides = array<i32>} : memref<32768xf32, #tpu.memory_space<vmem>>, vector<16xf32>,
        %parallel_loop3A_267 = arith.maximumf %parallel_loop3A_240, %parallel_loop3A_262 : vector<16xf32>
        scf.yield %parallel_loop3A_267 : vector<16xf32>
      } {sc.loop_unroll_factor = 8 : i64, sc.parallel_access}
      %add3A_138 = arith.constant 1 : i32
      %add3A_139 = arith.addi %add3A_65, %add3A_138 : i32
      %add3A_140 = arith.constant 4 : i32
      %add3A_141 = arith.addi %mul3A_2, %add3A_140 : i32
      %sub3A_142 = arith.constant 1 : i32
      %sub3A_143 = arith.subi %add3A_141, %sub3A_142 : i32
      %min3A = arith.minsi %add3A_139, %sub3A_143 : i32
      %dma_start3A_144 = arith.constant 0 : i32
      %dma_start3A_145 = tpu.memref_slice %arg2[%min3A, %dma_start3A_144] : memref<128x32768xf32, #tpu.memory_space<hbm>> -> memref<1x8192xf32, #tpu.memory_space<hbm>>
      %dma_start3A_146 = tpu.memref_squeeze %dma_start3A_145 : memref<1x8192xf32, #tpu.memory_space<hbm>> -> memref<8192xf32, #tpu.memory_space<hbm>>
      %dma_start3A_147 = arith.constant 0 : i32
      %dma_start3A_148 = tpu.memref_slice %arg2[%min3A, %dma_start3A_147] : memref<128x32768xf32, #tpu.memory_space<hbm>> -> memref<1x8192xf32, #tpu.memory_space<hbm>>
      %dma_start3A_149 = tpu.memref_squeeze %dma_start3A_148 : memref<1x8192xf32, #tpu.memory_space<hbm>> -> memref<8192xf32, #tpu.memory_space<hbm>>
      tpu.enqueue_dma source(%dma_start3A_149 : memref<8192xf32, #tpu.memory_space<hbm>>) target(%arg10 : memref<8192xf32, #tpu.memory_space<vmem>>) target_semaphore(%arg18 : memref<!tpu.dma_semaphore, #tpu.memory_space<semaphore_mem>>)
      %dma_start3A_150 = arith.constant 0 : i32
      %dma_start3A_151 = tpu.memref_slice %arg3[%min3A, %dma_start3A_150] : memref<128x32768xf32, #tpu.memory_space<hbm>> -> memref<1x8192xf32, #tpu.memory_space<hbm>>
      %dma_start3A_152 = tpu.memref_squeeze %dma_start3A_151 : memref<1x8192xf32, #tpu.memory_space<hbm>> -> memref<8192xf32, #tpu.memory_space<hbm>>
      %dma_start3A_153 = arith.constant 0 : i32
      %dma_start3A_154 = tpu.memref_slice %arg3[%min3A, %dma_start3A_153] : memref<128x32768xf32, #tpu.memory_space<hbm>> -> memref<1x8192xf32, #tpu.memory_space<hbm>>
      %dma_start3A_155 = tpu.memref_squeeze %dma_start3A_154 : memref<1x8192xf32, #tpu.memory_space<hbm>> -> memref<8192xf32, #tpu.memory_space<hbm>>
      tpu.enqueue_dma source(%dma_start3A_155 : memref<8192xf32, #tpu.memory_space<hbm>>) target(%arg12 : memref<8192xf32, #tpu.memory_space<vmem>>) target_semaphore(%arg20 : memref<!tpu.dma_semaphore, #tpu.memory_space<semaphore_mem>>)
      %dma_wait3A_156 = arith.constant 24576 : i32
      %dma_wait3A_157 = tpu.memref_slice %arg2[%add3A_65, %dma_wait3A_156] : memref<128x32768xf32, #tpu.memory_space<hbm>> -> memref<1x8192xf32, #tpu.memory_space<hbm>>
      %dma_wait3A_158 = tpu.memref_squeeze %dma_wait3A_157 : memref<1x8192xf32, #tpu.memory_space<hbm>> -> memref<8192xf32, #tpu.memory_space<hbm>>
      %dma_wait3A_159 = arith.constant 24576 : i32
      %dma_wait3A_160 = tpu.memref_slice %arg2[%add3A_65, %dma_wait3A_159] : memref<128x32768xf32, #tpu.memory_space<hbm>> -> memref<1x8192xf32, #tpu.memory_space<hbm>>
      %dma_wait3A_161 = tpu.memref_squeeze %dma_wait3A_160 : memref<1x8192xf32, #tpu.memory_space<hbm>> -> memref<8192xf32, #tpu.memory_space<hbm>>
      tpu.wait_dma2 semaphore(%arg19 : memref<!tpu.dma_semaphore, #tpu.memory_space<semaphore_mem>>) src(%dma_wait3A_161 : memref<8192xf32, #tpu.memory_space<hbm>>) dst(%arg11 : memref<8192xf32, #tpu.memory_space<vmem>>)
      %dma_wait3A_162 = arith.constant 24576 : i32
      %dma_wait3A_163 = tpu.memref_slice %arg3[%add3A_65, %dma_wait3A_162] : memref<128x32768xf32, #tpu.memory_space<hbm>> -> memref<1x8192xf32, #tpu.memory_space<hbm>>
      %dma_wait3A_164 = tpu.memref_squeeze %dma_wait3A_163 : memref<1x8192xf32, #tpu.memory_space<hbm>> -> memref<8192xf32, #tpu.memory_space<hbm>>
      %dma_wait3A_165 = arith.constant 24576 : i32
      %dma_wait3A_166 = tpu.memref_slice %arg3[%add3A_65, %dma_wait3A_165] : memref<128x32768xf32, #tpu.memory_space<hbm>> -> memref<1x8192xf32, #tpu.memory_space<hbm>>
      %dma_wait3A_167 = tpu.memref_squeeze %dma_wait3A_166 : memref<1x8192xf32, #tpu.memory_space<hbm>> -> memref<8192xf32, #tpu.memory_space<hbm>>
      tpu.wait_dma2 semaphore(%arg21 : memref<!tpu.dma_semaphore, #tpu.memory_space<semaphore_mem>>) src(%dma_wait3A_167 : memref<8192xf32, #tpu.memory_space<hbm>>) dst(%arg13 : memref<8192xf32, #tpu.memory_space<vmem>>)
      %parallel_loop3A_168 = arith.constant 0 : i32
      %parallel_loop3A_169 = arith.constant 512 : i32
      %parallel_loop3A_170 = arith.constant 1 : i32
      %parallel_loop3A_171 = scf.for %parallel_loop3A_239 = %parallel_loop3A_168 to %parallel_loop3A_169 step %parallel_loop3A_170 iter_args(%parallel_loop3A_240 = %parallel_loop3A_137) -> (vector<16xf32>)  : i32 {
        %parallel_loop3A_241 = arith.constant 16 : i32
        %parallel_loop3A_242 = arith.muli %parallel_loop3A_239, %parallel_loop3A_241 : i32
        %parallel_loop3A_243 = arith.index_cast %parallel_loop3A_242 : i32 to index
        %parallel_loop3A_244 = tpu.vector_load %arg11[%parallel_loop3A_243] {strides = array<i32>} : memref<8192xf32, #tpu.memory_space<vmem>>, vector<16xf32>,
        %parallel_loop3A_245 = arith.index_cast %parallel_loop3A_242 : i32 to index
        %parallel_loop3A_246 = tpu.vector_load %arg13[%parallel_loop3A_245] {strides = array<i32>} : memref<8192xf32, #tpu.memory_space<vmem>>, vector<16xf32>,
        %parallel_loop3A_247 = arith.constant 24576 : i32
        %parallel_loop3A_248 = arith.addi %parallel_loop3A_247, %parallel_loop3A_242 : i32
        %parallel_loop3A_249 = arith.index_cast %parallel_loop3A_248 : i32 to index
        %parallel_loop3A_250 = tpu.vector_load %arg8[%parallel_loop3A_249] {strides = array<i32>} : memref<32768xi32, #tpu.memory_space<vmem>>, vector<16xi32>,
        %parallel_loop3A_251 = arith.constant 0 : i32
        %parallel_loop3A_252 = vector.broadcast %parallel_loop3A_251 : i32 to vector<16xi32>
        %parallel_loop3A_253 = arith.cmpi sgt, %parallel_loop3A_250, %parallel_loop3A_252 : vector<16xi32>
        %parallel_loop3A_254 = arith.constant 0.000000e+00 : f32
        %parallel_loop3A_255 = arith.constant -9.999990e+05 : f32
        %parallel_loop3A_256 = vector.broadcast %parallel_loop3A_254 : f32 to vector<16xf32>
        %parallel_loop3A_257 = vector.broadcast %parallel_loop3A_255 : f32 to vector<16xf32>
        %parallel_loop3A_258 = arith.select %parallel_loop3A_253, %parallel_loop3A_256, %parallel_loop3A_257 : vector<16xi1>, vector<16xf32>
        %parallel_loop3A_259 = arith.mulf %parallel_loop3A_244, %get3A_3 : vector<16xf32>
        %parallel_loop3A_260 = arith.mulf %parallel_loop3A_246, %get3A_5 : vector<16xf32>
        %parallel_loop3A_261 = arith.addf %parallel_loop3A_259, %parallel_loop3A_260 : vector<16xf32>
        %parallel_loop3A_262 = arith.addf %parallel_loop3A_261, %parallel_loop3A_258 : vector<16xf32>
        %parallel_loop3A_263 = arith.constant 24576 : i32
        %parallel_loop3A_264 = arith.addi %parallel_loop3A_263, %parallel_loop3A_242 : i32
        %parallel_loop3A_265 = arith.index_cast %parallel_loop3A_264 : i32 to index
        %parallel_loop3A_266 = tpu.vector_load %arg9[%parallel_loop3A_265] {strides = array<i32>} : memref<32768xf32, #tpu.memory_space<vmem>>, vector<16xf32>,
        tpu.vector_store %arg9[%parallel_loop3A_265], %parallel_loop3A_262 {strides = array<i32>} : memref<32768xf32, #tpu.memory_space<vmem>>, vector<16xf32>,
        %parallel_loop3A_267 = arith.maximumf %parallel_loop3A_240, %parallel_loop3A_262 : vector<16xf32>
        scf.yield %parallel_loop3A_267 : vector<16xf32>
      } {sc.loop_unroll_factor = 8 : i64, sc.parallel_access}
      %add3A_172 = arith.constant 1 : i32
      %add3A_173 = arith.addi %add3A_65, %add3A_172 : i32
      %add3A_174 = arith.constant 4 : i32
      %add3A_175 = arith.addi %mul3A_2, %add3A_174 : i32
      %sub3A_176 = arith.constant 1 : i32
      %sub3A_177 = arith.subi %add3A_175, %sub3A_176 : i32
      %min3A_178 = arith.minsi %add3A_173, %sub3A_177 : i32
      %dma_start3A_179 = arith.constant 8192 : i32
      %dma_start3A_180 = tpu.memref_slice %arg2[%min3A_178, %dma_start3A_179] : memref<128x32768xf32, #tpu.memory_space<hbm>> -> memref<1x8192xf32, #tpu.memory_space<hbm>>
      %dma_start3A_181 = tpu.memref_squeeze %dma_start3A_180 : memref<1x8192xf32, #tpu.memory_space<hbm>> -> memref<8192xf32, #tpu.memory_space<hbm>>
      %dma_start3A_182 = arith.constant 8192 : i32
      %dma_start3A_183 = tpu.memref_slice %arg2[%min3A_178, %dma_start3A_182] : memref<128x32768xf32, #tpu.memory_space<hbm>> -> memref<1x8192xf32, #tpu.memory_space<hbm>>
      %dma_start3A_184 = tpu.memref_squeeze %dma_start3A_183 : memref<1x8192xf32, #tpu.memory_space<hbm>> -> memref<8192xf32, #tpu.memory_space<hbm>>
      tpu.enqueue_dma source(%dma_start3A_184 : memref<8192xf32, #tpu.memory_space<hbm>>) target(%arg11 : memref<8192xf32, #tpu.memory_space<vmem>>) target_semaphore(%arg19 : memref<!tpu.dma_semaphore, #tpu.memory_space<semaphore_mem>>)
      %dma_start3A_185 = arith.constant 8192 : i32
      %dma_start3A_186 = tpu.memref_slice %arg3[%min3A_178, %dma_start3A_185] : memref<128x32768xf32, #tpu.memory_space<hbm>> -> memref<1x8192xf32, #tpu.memory_space<hbm>>
      %dma_start3A_187 = tpu.memref_squeeze %dma_start3A_186 : memref<1x8192xf32, #tpu.memory_space<hbm>> -> memref<8192xf32, #tpu.memory_space<hbm>>
      %dma_start3A_188 = arith.constant 8192 : i32
      %dma_start3A_189 = tpu.memref_slice %arg3[%min3A_178, %dma_start3A_188] : memref<128x32768xf32, #tpu.memory_space<hbm>> -> memref<1x8192xf32, #tpu.memory_space<hbm>>
      %dma_start3A_190 = tpu.memref_squeeze %dma_start3A_189 : memref<1x8192xf32, #tpu.memory_space<hbm>> -> memref<8192xf32, #tpu.memory_space<hbm>>
      tpu.enqueue_dma source(%dma_start3A_190 : memref<8192xf32, #tpu.memory_space<hbm>>) target(%arg13 : memref<8192xf32, #tpu.memory_space<vmem>>) target_semaphore(%arg21 : memref<!tpu.dma_semaphore, #tpu.memory_space<semaphore_mem>>)
      %reduce_max3A = arith.constant true
      %reduce_max3A_191 = vector.broadcast %reduce_max3A : i1 to vector<16xi1>
      %reduce_max3A_192 = tpu.scan <max>, %parallel_loop3A_171 masked %reduce_max3A_191 : vector<16xf32>, vector<16xi1> -> vector<16xf32>
      %reduce_max3A_193 = vector.extract %reduce_max3A_192[15] : f32 from vector<16xf32>
      %broadcast_in_dim3A_194 = vector.broadcast %reduce_max3A_193 : f32 to vector<16xf32>
      %eq3A = arith.cmpf oeq, %parallel_loop3A_171, %broadcast_in_dim3A_194 : vector<16xf32>
      %jit3A = arith.constant -3.000000e+38 : f32
      %broadcast_in_dim3A_195 = vector.broadcast %jit3A : f32 to vector<16xf32>
      %select_n3A = arith.select %eq3A, %broadcast_in_dim3A_195, %parallel_loop3A_171 : vector<16xi1>, vector<16xf32>
      %reduce_max3A_196 = arith.constant true
      %reduce_max3A_197 = vector.broadcast %reduce_max3A_196 : i1 to vector<16xi1>
      %reduce_max3A_198 = tpu.scan <max>, %select_n3A masked %reduce_max3A_197 : vector<16xf32>, vector<16xi1> -> vector<16xf32>
      %reduce_max3A_199 = vector.extract %reduce_max3A_198[15] : f32 from vector<16xf32>
      %broadcast_in_dim3A_200 = vector.broadcast %reduce_max3A_199 : f32 to vector<16xf32>
      %eq3A_201 = arith.cmpf oeq, %select_n3A, %broadcast_in_dim3A_200 : vector<16xf32>
      %jit3A_202 = arith.constant -3.000000e+38 : f32
      %broadcast_in_dim3A_203 = vector.broadcast %jit3A_202 : f32 to vector<16xf32>
      %select_n3A_204 = arith.select %eq3A_201, %broadcast_in_dim3A_203, %select_n3A : vector<16xi1>, vector<16xf32>
      %reduce_max3A_205 = arith.constant true
      %reduce_max3A_206 = vector.broadcast %reduce_max3A_205 : i1 to vector<16xi1>
      %reduce_max3A_207 = tpu.scan <max>, %select_n3A_204 masked %reduce_max3A_206 : vector<16xf32>, vector<16xi1> -> vector<16xf32>
      %reduce_max3A_208 = vector.extract %reduce_max3A_207[15] : f32 from vector<16xf32>
      %broadcast_in_dim3A_209 = vector.broadcast %reduce_max3A_208 : f32 to vector<16xf32>
      %eq3A_210 = arith.cmpf oeq, %select_n3A_204, %broadcast_in_dim3A_209 : vector<16xf32>
      %jit3A_211 = arith.constant -3.000000e+38 : f32
      %broadcast_in_dim3A_212 = vector.broadcast %jit3A_211 : f32 to vector<16xf32>
      %select_n3A_213 = arith.select %eq3A_210, %broadcast_in_dim3A_212, %select_n3A_204 : vector<16xi1>, vector<16xf32>
      %reduce_max3A_214 = arith.constant true
      %reduce_max3A_215 = vector.broadcast %reduce_max3A_214 : i1 to vector<16xi1>
      %reduce_max3A_216 = tpu.scan <max>, %select_n3A_213 masked %reduce_max3A_215 : vector<16xf32>, vector<16xi1> -> vector<16xf32>
      %reduce_max3A_217 = vector.extract %reduce_max3A_216[15] : f32 from vector<16xf32>
      %broadcast_in_dim3A_218 = vector.broadcast %reduce_max3A_217 : f32 to vector<16xf32>
      %eq3A_219 = arith.cmpf oeq, %select_n3A_213, %broadcast_in_dim3A_218 : vector<16xf32>
      %jit3A_220 = arith.constant -3.000000e+38 : f32
      %broadcast_in_dim3A_221 = vector.broadcast %jit3A_220 : f32 to vector<16xf32>
      %select_n3A_222 = arith.select %eq3A_219, %broadcast_in_dim3A_221, %select_n3A_213 : vector<16xi1>, vector<16xf32>
      %reduce_max3A_223 = arith.constant true
      %reduce_max3A_224 = vector.broadcast %reduce_max3A_223 : i1 to vector<16xi1>
      %reduce_max3A_225 = tpu.scan <max>, %select_n3A_222 masked %reduce_max3A_224 : vector<16xf32>, vector<16xi1> -> vector<16xf32>
      %reduce_max3A_226 = vector.extract %reduce_max3A_225[15] : f32 from vector<16xf32>
      %broadcast_in_dim3A_227 = vector.broadcast %reduce_max3A_226 : f32 to vector<16xf32>
      %scan3A_228 = arith.constant 0 : i32
      %scan3A_229 = arith.constant 0 : i32
      %scan3A_230 = arith.constant 256 : i32
      %scan3A_231 = arith.addi %scan3A_229, %scan3A_230 : i32
      %scan3A_232 = arith.constant 1 : i32
      %scan3A_233 = scf.for %scan3A_239 = %scan3A_229 to %scan3A_231 step %scan3A_232 iter_args(%scan3A_240 = %scan3A_228) -> (i32)  : i32 {
        %mul3A_241 = arith.constant 128 : i32
        %mul3A_242 = arith.muli %scan3A_239, %mul3A_241 : i32
        %add3A_243 = arith.constant 0 : i32
        %add3A_244 = arith.addi %mul3A_242, %add3A_243 : i32
        %get3A_245 = arith.index_cast %add3A_244 : i32 to index
        %get3A_246 = tpu.vector_load %arg9[%get3A_245] {strides = array<i32>} : memref<32768xf32, #tpu.memory_space<vmem>>, vector<16xf32>,
        %ge3A = arith.cmpf oge, %get3A_246, %broadcast_in_dim3A_227 : vector<16xf32>
        %broadcast_in_dim3A_247 = vector.broadcast %add3A_244 : i32 to vector<16xi32>
        %add3A_248 = arith.addi %iota3A, %broadcast_in_dim3A_247 : vector<16xi32>
        %mul3A_249 = arith.constant 128 : i32
        %mul3A_250 = arith.muli %scan3A_239, %mul3A_249 : i32
        %add3A_251 = arith.constant 16 : i32
        %add3A_252 = arith.addi %mul3A_250, %add3A_251 : i32
        %get3A_253 = arith.index_cast %add3A_252 : i32 to index
        %get3A_254 = tpu.vector_load %arg9[%get3A_253] {strides = array<i32>} : memref<32768xf32, #tpu.memory_space<vmem>>, vector<16xf32>,
        %ge3A_255 = arith.cmpf oge, %get3A_254, %broadcast_in_dim3A_227 : vector<16xf32>
        %broadcast_in_dim3A_256 = vector.broadcast %add3A_252 : i32 to vector<16xi32>
        %add3A_257 = arith.addi %iota3A, %broadcast_in_dim3A_256 : vector<16xi32>
        %or3A = arith.ori %ge3A, %ge3A_255 : vector<16xi1>
        %mul3A_258 = arith.constant 128 : i32
        %mul3A_259 = arith.muli %scan3A_239, %mul3A_258 : i32
        %add3A_260 = arith.constant 32 : i32
        %add3A_261 = arith.addi %mul3A_259, %add3A_260 : i32
        %get3A_262 = arith.index_cast %add3A_261 : i32 to index
        %get3A_263 = tpu.vector_load %arg9[%get3A_262] {strides = array<i32>} : memref<32768xf32, #tpu.memory_space<vmem>>, vector<16xf32>,
        %ge3A_264 = arith.cmpf oge, %get3A_263, %broadcast_in_dim3A_227 : vector<16xf32>
        %broadcast_in_dim3A_265 = vector.broadcast %add3A_261 : i32 to vector<16xi32>
        %add3A_266 = arith.addi %iota3A, %broadcast_in_dim3A_265 : vector<16xi32>
        %or3A_267 = arith.ori %or3A, %ge3A_264 : vector<16xi1>
        %mul3A_268 = arith.constant 128 : i32
        %mul3A_269 = arith.muli %scan3A_239, %mul3A_268 : i32
        %add3A_270 = arith.constant 48 : i32
        %add3A_271 = arith.addi %mul3A_269, %add3A_270 : i32
        %get3A_272 = arith.index_cast %add3A_271 : i32 to index
        %get3A_273 = tpu.vector_load %arg9[%get3A_272] {strides = array<i32>} : memref<32768xf32, #tpu.memory_space<vmem>>, vector<16xf32>,
        %ge3A_274 = arith.cmpf oge, %get3A_273, %broadcast_in_dim3A_227 : vector<16xf32>
        %broadcast_in_dim3A_275 = vector.broadcast %add3A_271 : i32 to vector<16xi32>
        %add3A_276 = arith.addi %iota3A, %broadcast_in_dim3A_275 : vector<16xi32>
        %or3A_277 = arith.ori %or3A_267, %ge3A_274 : vector<16xi1>
        %mul3A_278 = arith.constant 128 : i32
        %mul3A_279 = arith.muli %scan3A_239, %mul3A_278 : i32
        %add3A_280 = arith.constant 64 : i32
        %add3A_281 = arith.addi %mul3A_279, %add3A_280 : i32
        %get3A_282 = arith.index_cast %add3A_281 : i32 to index
        %get3A_283 = tpu.vector_load %arg9[%get3A_282] {strides = array<i32>} : memref<32768xf32, #tpu.memory_space<vmem>>, vector<16xf32>,
        %ge3A_284 = arith.cmpf oge, %get3A_283, %broadcast_in_dim3A_227 : vector<16xf32>
        %broadcast_in_dim3A_285 = vector.broadcast %add3A_281 : i32 to vector<16xi32>
        %add3A_286 = arith.addi %iota3A, %broadcast_in_dim3A_285 : vector<16xi32>
        %or3A_287 = arith.ori %or3A_277, %ge3A_284 : vector<16xi1>
        %mul3A_288 = arith.constant 128 : i32
        %mul3A_289 = arith.muli %scan3A_239, %mul3A_288 : i32
        %add3A_290 = arith.constant 80 : i32
        %add3A_291 = arith.addi %mul3A_289, %add3A_290 : i32
        %get3A_292 = arith.index_cast %add3A_291 : i32 to index
        %get3A_293 = tpu.vector_load %arg9[%get3A_292] {strides = array<i32>} : memref<32768xf32, #tpu.memory_space<vmem>>, vector<16xf32>,
        %ge3A_294 = arith.cmpf oge, %get3A_293, %broadcast_in_dim3A_227 : vector<16xf32>
        %broadcast_in_dim3A_295 = vector.broadcast %add3A_291 : i32 to vector<16xi32>
        %add3A_296 = arith.addi %iota3A, %broadcast_in_dim3A_295 : vector<16xi32>
        %or3A_297 = arith.ori %or3A_287, %ge3A_294 : vector<16xi1>
        %mul3A_298 = arith.constant 128 : i32
        %mul3A_299 = arith.muli %scan3A_239, %mul3A_298 : i32
        %add3A_300 = arith.constant 96 : i32
        %add3A_301 = arith.addi %mul3A_299, %add3A_300 : i32
        %get3A_302 = arith.index_cast %add3A_301 : i32 to index
        %get3A_303 = tpu.vector_load %arg9[%get3A_302] {strides = array<i32>} : memref<32768xf32, #tpu.memory_space<vmem>>, vector<16xf32>,
        %ge3A_304 = arith.cmpf oge, %get3A_303, %broadcast_in_dim3A_227 : vector<16xf32>
        %broadcast_in_dim3A_305 = vector.broadcast %add3A_301 : i32 to vector<16xi32>
        %add3A_306 = arith.addi %iota3A, %broadcast_in_dim3A_305 : vector<16xi32>
        %or3A_307 = arith.ori %or3A_297, %ge3A_304 : vector<16xi1>
        %mul3A_308 = arith.constant 128 : i32
        %mul3A_309 = arith.muli %scan3A_239, %mul3A_308 : i32
        %add3A_310 = arith.constant 112 : i32
        %add3A_311 = arith.addi %mul3A_309, %add3A_310 : i32
        %get3A_312 = arith.index_cast %add3A_311 : i32 to index
        %get3A_313 = tpu.vector_load %arg9[%get3A_312] {strides = array<i32>} : memref<32768xf32, #tpu.memory_space<vmem>>, vector<16xf32>,
        %ge3A_314 = arith.cmpf oge, %get3A_313, %broadcast_in_dim3A_227 : vector<16xf32>
        %broadcast_in_dim3A_315 = vector.broadcast %add3A_311 : i32 to vector<16xi32>
        %add3A_316 = arith.addi %iota3A, %broadcast_in_dim3A_315 : vector<16xi32>
        %or3A_317 = arith.ori %or3A_307, %ge3A_314 : vector<16xi1>
        %reduce_or3A = arith.constant 1.000000e+00 : f32
        %reduce_or3A_318 = arith.constant 0.000000e+00 : f32
        %reduce_or3A_319 = vector.broadcast %reduce_or3A : f32 to vector<16xf32>
        %reduce_or3A_320 = vector.broadcast %reduce_or3A_318 : f32 to vector<16xf32>
        %reduce_or3A_321 = arith.select %or3A_317, %reduce_or3A_319, %reduce_or3A_320 : vector<16xi1>, vector<16xf32>
        %reduce_or3A_322 = arith.constant true
        %reduce_or3A_323 = vector.broadcast %reduce_or3A_322 : i1 to vector<16xi1>
        %reduce_or3A_324 = tpu.scan <max>, %reduce_or3A_321 masked %reduce_or3A_323 : vector<16xf32>, vector<16xi1> -> vector<16xf32>
        %reduce_or3A_325 = vector.extract %reduce_or3A_324[15] : f32 from vector<16xf32>
        %reduce_or3A_326 = arith.constant 0.000000e+00 : f32
        %reduce_or3A_327 = arith.cmpf ogt, %reduce_or3A_325, %reduce_or3A_326 : f32
        %convert_element_type3A_328 = arith.extui %reduce_or3A_327 : i1 to i32
        %cond3A_329 = arith.constant 0 : i32
        %cond3A_330 = arith.cmpi ne, %convert_element_type3A_328, %cond3A_329 : i32
        %cond3A_331 = scf.if %cond3A_330 -> (i32) {
          %broadcast_in_dim3A_332 = arith.constant 0 : i32
          %broadcast_in_dim3A_333 = vector.broadcast %broadcast_in_dim3A_332 : i32 to vector<16xi32>
          %all_reduce_population_count3A = tpu.all_reduce %ge3A {dim = 0 : i64, kind = #tpu.reduction_kind<sum>} : vector<16xi1> -> vector<16xi32>
          %eq3A_334 = arith.constant 0 : i32
          %eq3A_335 = vector.broadcast %eq3A_334 : i32 to vector<16xi32>
          %eq3A_336 = arith.cmpi eq, %iota3A, %eq3A_335 : vector<16xi32>
          %select_n3A_337 = arith.select %eq3A_336, %all_reduce_population_count3A, %broadcast_in_dim3A_333 : vector<16xi1>, vector<16xi32>
          %all_reduce_population_count3A_338 = tpu.all_reduce %ge3A_255 {dim = 0 : i64, kind = #tpu.reduction_kind<sum>} : vector<16xi1> -> vector<16xi32>
          %eq3A_339 = arith.constant 1 : i32
          %eq3A_340 = vector.broadcast %eq3A_339 : i32 to vector<16xi32>
          %eq3A_341 = arith.cmpi eq, %iota3A, %eq3A_340 : vector<16xi32>
          %select_n3A_342 = arith.select %eq3A_341, %all_reduce_population_count3A_338, %select_n3A_337 : vector<16xi1>, vector<16xi32>
          %all_reduce_population_count3A_343 = tpu.all_reduce %ge3A_264 {dim = 0 : i64, kind = #tpu.reduction_kind<sum>} : vector<16xi1> -> vector<16xi32>
          %eq3A_344 = arith.constant 2 : i32
          %eq3A_345 = vector.broadcast %eq3A_344 : i32 to vector<16xi32>
          %eq3A_346 = arith.cmpi eq, %iota3A, %eq3A_345 : vector<16xi32>
          %select_n3A_347 = arith.select %eq3A_346, %all_reduce_population_count3A_343, %select_n3A_342 : vector<16xi1>, vector<16xi32>
          %all_reduce_population_count3A_348 = tpu.all_reduce %ge3A_274 {dim = 0 : i64, kind = #tpu.reduction_kind<sum>} : vector<16xi1> -> vector<16xi32>
          %eq3A_349 = arith.constant 3 : i32
          %eq3A_350 = vector.broadcast %eq3A_349 : i32 to vector<16xi32>
          %eq3A_351 = arith.cmpi eq, %iota3A, %eq3A_350 : vector<16xi32>
          %select_n3A_352 = arith.select %eq3A_351, %all_reduce_population_count3A_348, %select_n3A_347 : vector<16xi1>, vector<16xi32>
          %all_reduce_population_count3A_353 = tpu.all_reduce %ge3A_284 {dim = 0 : i64, kind = #tpu.reduction_kind<sum>} : vector<16xi1> -> vector<16xi32>
          %eq3A_354 = arith.constant 4 : i32
          %eq3A_355 = vector.broadcast %eq3A_354 : i32 to vector<16xi32>
          %eq3A_356 = arith.cmpi eq, %iota3A, %eq3A_355 : vector<16xi32>
          %select_n3A_357 = arith.select %eq3A_356, %all_reduce_population_count3A_353, %select_n3A_352 : vector<16xi1>, vector<16xi32>
          %all_reduce_population_count3A_358 = tpu.all_reduce %ge3A_294 {dim = 0 : i64, kind = #tpu.reduction_kind<sum>} : vector<16xi1> -> vector<16xi32>
          %eq3A_359 = arith.constant 5 : i32
          %eq3A_360 = vector.broadcast %eq3A_359 : i32 to vector<16xi32>
          %eq3A_361 = arith.cmpi eq, %iota3A, %eq3A_360 : vector<16xi32>
          %select_n3A_362 = arith.select %eq3A_361, %all_reduce_population_count3A_358, %select_n3A_357 : vector<16xi1>, vector<16xi32>
          %all_reduce_population_count3A_363 = tpu.all_reduce %ge3A_304 {dim = 0 : i64, kind = #tpu.reduction_kind<sum>} : vector<16xi1> -> vector<16xi32>
          %eq3A_364 = arith.constant 6 : i32
          %eq3A_365 = vector.broadcast %eq3A_364 : i32 to vector<16xi32>
          %eq3A_366 = arith.cmpi eq, %iota3A, %eq3A_365 : vector<16xi32>
          %select_n3A_367 = arith.select %eq3A_366, %all_reduce_population_count3A_363, %select_n3A_362 : vector<16xi1>, vector<16xi32>
          %all_reduce_population_count3A_368 = tpu.all_reduce %ge3A_314 {dim = 0 : i64, kind = #tpu.reduction_kind<sum>} : vector<16xi1> -> vector<16xi32>
          %eq3A_369 = arith.constant 7 : i32
          %eq3A_370 = vector.broadcast %eq3A_369 : i32 to vector<16xi32>
          %eq3A_371 = arith.cmpi eq, %iota3A, %eq3A_370 : vector<16xi32>
          %select_n3A_372 = arith.select %eq3A_371, %all_reduce_population_count3A_368, %select_n3A_367 : vector<16xi1>, vector<16xi32>
          %broadcast_in_dim3A_373 = arith.constant true
          %broadcast_in_dim3A_374 = vector.broadcast %broadcast_in_dim3A_373 : i1 to vector<16xi1>
          %masked_cumsum3A = tpu.scan <sum>, %select_n3A_372 masked %broadcast_in_dim3A_374 : vector<16xi32>, vector<16xi1> -> vector<16xi32>
          %sub3A_375 = arith.subi %masked_cumsum3A, %select_n3A_372 : vector<16xi32>
          %slice3A = vector.extract_strided_slice %sub3A_375 {offsets = [0], sizes = [1], strides = [1]} : vector<16xi32> to vector<1xi32>
          %squeeze3A = vector.extract %slice3A[0] : i32 from vector<1xi32>
          %add3A_376 = arith.addi %scan3A_240, %squeeze3A : i32
          %min3A_377 = arith.constant 4096 : i32
          %min3A_378 = arith.minsi %add3A_376, %min3A_377 : i32
          %swap3A_379 = arith.index_cast %min3A_378 : i32 to index
          %swap3A_380 = tpu.vector_load %arg14[%swap3A_379] masked %ge3A {strides = array<i32>} : memref<4128xi32, #tpu.memory_space<vmem>>, vector<16xi32>, vector<16xi1>
          tpu.vector_store %arg14[%swap3A_379], %add3A_248 masked %ge3A {strides = array<i32>} : memref<4128xi32, #tpu.memory_space<vmem>>, vector<16xi32>, vector<16xi1>
          %slice3A_381 = vector.extract_strided_slice %sub3A_375 {offsets = [1], sizes = [1], strides = [1]} : vector<16xi32> to vector<1xi32>
          %squeeze3A_382 = vector.extract %slice3A_381[0] : i32 from vector<1xi32>
          %add3A_383 = arith.addi %scan3A_240, %squeeze3A_382 : i32
          %min3A_384 = arith.constant 4096 : i32
          %min3A_385 = arith.minsi %add3A_383, %min3A_384 : i32
          %swap3A_386 = arith.index_cast %min3A_385 : i32 to index
          %swap3A_387 = tpu.vector_load %arg14[%swap3A_386] masked %ge3A_255 {strides = array<i32>} : memref<4128xi32, #tpu.memory_space<vmem>>, vector<16xi32>, vector<16xi1>
          tpu.vector_store %arg14[%swap3A_386], %add3A_257 masked %ge3A_255 {strides = array<i32>} : memref<4128xi32, #tpu.memory_space<vmem>>, vector<16xi32>, vector<16xi1>
          %slice3A_388 = vector.extract_strided_slice %sub3A_375 {offsets = [2], sizes = [1], strides = [1]} : vector<16xi32> to vector<1xi32>
          %squeeze3A_389 = vector.extract %slice3A_388[0] : i32 from vector<1xi32>
          %add3A_390 = arith.addi %scan3A_240, %squeeze3A_389 : i32
          %min3A_391 = arith.constant 4096 : i32
          %min3A_392 = arith.minsi %add3A_390, %min3A_391 : i32
          %swap3A_393 = arith.index_cast %min3A_392 : i32 to index
          %swap3A_394 = tpu.vector_load %arg14[%swap3A_393] masked %ge3A_264 {strides = array<i32>} : memref<4128xi32, #tpu.memory_space<vmem>>, vector<16xi32>, vector<16xi1>
          tpu.vector_store %arg14[%swap3A_393], %add3A_266 masked %ge3A_264 {strides = array<i32>} : memref<4128xi32, #tpu.memory_space<vmem>>, vector<16xi32>, vector<16xi1>
          %slice3A_395 = vector.extract_strided_slice %sub3A_375 {offsets = [3], sizes = [1], strides = [1]} : vector<16xi32> to vector<1xi32>
          %squeeze3A_396 = vector.extract %slice3A_395[0] : i32 from vector<1xi32>
          %add3A_397 = arith.addi %scan3A_240, %squeeze3A_396 : i32
          %min3A_398 = arith.constant 4096 : i32
          %min3A_399 = arith.minsi %add3A_397, %min3A_398 : i32
          %swap3A_400 = arith.index_cast %min3A_399 : i32 to index
          %swap3A_401 = tpu.vector_load %arg14[%swap3A_400] masked %ge3A_274 {strides = array<i32>} : memref<4128xi32, #tpu.memory_space<vmem>>, vector<16xi32>, vector<16xi1>
          tpu.vector_store %arg14[%swap3A_400], %add3A_276 masked %ge3A_274 {strides = array<i32>} : memref<4128xi32, #tpu.memory_space<vmem>>, vector<16xi32>, vector<16xi1>
          %slice3A_402 = vector.extract_strided_slice %sub3A_375 {offsets = [4], sizes = [1], strides = [1]} : vector<16xi32> to vector<1xi32>
          %squeeze3A_403 = vector.extract %slice3A_402[0] : i32 from vector<1xi32>
          %add3A_404 = arith.addi %scan3A_240, %squeeze3A_403 : i32
          %min3A_405 = arith.constant 4096 : i32
          %min3A_406 = arith.minsi %add3A_404, %min3A_405 : i32
          %swap3A_407 = arith.index_cast %min3A_406 : i32 to index
          %swap3A_408 = tpu.vector_load %arg14[%swap3A_407] masked %ge3A_284 {strides = array<i32>} : memref<4128xi32, #tpu.memory_space<vmem>>, vector<16xi32>, vector<16xi1>
          tpu.vector_store %arg14[%swap3A_407], %add3A_286 masked %ge3A_284 {strides = array<i32>} : memref<4128xi32, #tpu.memory_space<vmem>>, vector<16xi32>, vector<16xi1>
          %slice3A_409 = vector.extract_strided_slice %sub3A_375 {offsets = [5], sizes = [1], strides = [1]} : vector<16xi32> to vector<1xi32>
          %squeeze3A_410 = vector.extract %slice3A_409[0] : i32 from vector<1xi32>
          %add3A_411 = arith.addi %scan3A_240, %squeeze3A_410 : i32
          %min3A_412 = arith.constant 4096 : i32
          %min3A_413 = arith.minsi %add3A_411, %min3A_412 : i32
          %swap3A_414 = arith.index_cast %min3A_413 : i32 to index
          %swap3A_415 = tpu.vector_load %arg14[%swap3A_414] masked %ge3A_294 {strides = array<i32>} : memref<4128xi32, #tpu.memory_space<vmem>>, vector<16xi32>, vector<16xi1>
          tpu.vector_store %arg14[%swap3A_414], %add3A_296 masked %ge3A_294 {strides = array<i32>} : memref<4128xi32, #tpu.memory_space<vmem>>, vector<16xi32>, vector<16xi1>
          %slice3A_416 = vector.extract_strided_slice %sub3A_375 {offsets = [6], sizes = [1], strides = [1]} : vector<16xi32> to vector<1xi32>
          %squeeze3A_417 = vector.extract %slice3A_416[0] : i32 from vector<1xi32>
          %add3A_418 = arith.addi %scan3A_240, %squeeze3A_417 : i32
          %min3A_419 = arith.constant 4096 : i32
          %min3A_420 = arith.minsi %add3A_418, %min3A_419 : i32
          %swap3A_421 = arith.index_cast %min3A_420 : i32 to index
          %swap3A_422 = tpu.vector_load %arg14[%swap3A_421] masked %ge3A_304 {strides = array<i32>} : memref<4128xi32, #tpu.memory_space<vmem>>, vector<16xi32>, vector<16xi1>
          tpu.vector_store %arg14[%swap3A_421], %add3A_306 masked %ge3A_304 {strides = array<i32>} : memref<4128xi32, #tpu.memory_space<vmem>>, vector<16xi32>, vector<16xi1>
          %slice3A_423 = vector.extract_strided_slice %sub3A_375 {offsets = [7], sizes = [1], strides = [1]} : vector<16xi32> to vector<1xi32>
          %squeeze3A_424 = vector.extract %slice3A_423[0] : i32 from vector<1xi32>
          %add3A_425 = arith.addi %scan3A_240, %squeeze3A_424 : i32
          %min3A_426 = arith.constant 4096 : i32
          %min3A_427 = arith.minsi %add3A_425, %min3A_426 : i32
          %swap3A_428 = arith.index_cast %min3A_427 : i32 to index
          %swap3A_429 = tpu.vector_load %arg14[%swap3A_428] masked %ge3A_314 {strides = array<i32>} : memref<4128xi32, #tpu.memory_space<vmem>>, vector<16xi32>, vector<16xi1>
          tpu.vector_store %arg14[%swap3A_428], %add3A_316 masked %ge3A_314 {strides = array<i32>} : memref<4128xi32, #tpu.memory_space<vmem>>, vector<16xi32>, vector<16xi1>
          %slice3A_430 = vector.extract_strided_slice %masked_cumsum3A {offsets = [7], sizes = [1], strides = [1]} : vector<16xi32> to vector<1xi32>
          %squeeze3A_431 = vector.extract %slice3A_430[0] : i32 from vector<1xi32>
          %add3A_432 = arith.addi %scan3A_240, %squeeze3A_431 : i32
          scf.yield %add3A_432 : i32
        } else {
          scf.yield %scan3A_240 : i32
        }
        scf.yield %cond3A_331 : i32
      }
      %scan3A_234 = arith.constant 256 : i32
      %le3A = arith.constant 4096 : i32
      %le3A_235 = arith.cmpi sle, %scan3A_233, %le3A : i32
      %convert_element_type3A = arith.extui %le3A_235 : i1 to i32
      %cond3A = arith.constant 0 : i32
      %cond3A_236 = arith.cmpi ne, %convert_element_type3A, %cond3A : i32
      %cond3A_237 = scf.if %cond3A_236 -> (vector<16xi32>) {
        %add3A_239 = arith.constant 15 : i32
        %add3A_240 = arith.addi %scan3A_233, %add3A_239 : i32
        %jit3A_241 = arith.constant 16 : i32
        %div3A = arith.divsi %add3A_240, %jit3A_241 : i32
        %sign3A = arith.constant 0 : i32
        %sign3A_242 = arith.cmpi sgt, %add3A_240, %sign3A : i32
        %sign3A_243 = arith.extui %sign3A_242 : i1 to i32
        %sign3A_244 = arith.constant 0 : i32
        %sign3A_245 = arith.cmpi slt, %add3A_240, %sign3A_244 : i32
        %sign3A_246 = arith.extui %sign3A_245 : i1 to i32
        %sign3A_247 = arith.subi %sign3A_243, %sign3A_246 : i32
        %sign3A_248 = arith.constant 0 : i32
        %sign3A_249 = arith.cmpi sgt, %jit3A_241, %sign3A_248 : i32
        %sign3A_250 = arith.extui %sign3A_249 : i1 to i32
        %sign3A_251 = arith.constant 0 : i32
        %sign3A_252 = arith.cmpi slt, %jit3A_241, %sign3A_251 : i32
        %sign3A_253 = arith.extui %sign3A_252 : i1 to i32
        %sign3A_254 = arith.subi %sign3A_250, %sign3A_253 : i32
        %ne3A = arith.cmpi ne, %sign3A_247, %sign3A_254 : i32
        %rem3A = arith.remsi %add3A_240, %jit3A_241 : i32
        %ne3A_255 = arith.constant 0 : i32
        %ne3A_256 = arith.cmpi ne, %rem3A, %ne3A_255 : i32
        %and3A = arith.andi %ne3A, %ne3A_256 : i1
        %sub3A_257 = arith.constant 1 : i32
        %sub3A_258 = arith.subi %div3A, %sub3A_257 : i32
        %select_n3A_259 = arith.select %and3A, %sub3A_258, %div3A : i32
        %broadcast_in_dim3A_260 = arith.constant 0 : i32
        %broadcast_in_dim3A_261 = vector.broadcast %broadcast_in_dim3A_260 : i32 to vector<16xi32>
        %scan3A_262 = arith.constant 0 : i32
        %scan3A_263 = arith.constant 5 : i32
        %scan3A_264 = arith.addi %scan3A_262, %scan3A_263 : i32
        %scan3A_265 = arith.constant 1 : i32
        %scan3A_266 = scf.for %scan3A_268 = %scan3A_262 to %scan3A_264 step %scan3A_265 iter_args(%scan3A_269 = %broadcast_in_dim3A_261) -> (vector<16xi32>)  : i32 {
          %broadcast_in_dim3A_270 = arith.constant -3.000000e+38 : f32
          %broadcast_in_dim3A_271 = vector.broadcast %broadcast_in_dim3A_270 : f32 to vector<16xf32>
          %broadcast_in_dim3A_272 = arith.constant 1073741824 : i32
          %broadcast_in_dim3A_273 = vector.broadcast %broadcast_in_dim3A_272 : i32 to vector<16xi32>
          %while3A = arith.constant 0 : i32
          %while3A_274 = arith.subi %select_n3A_259, %while3A : i32
          %while3A_275 = arith.addi %while3A, %while3A_274 : i32
          %while3A_276 = arith.constant 1 : i32
          %while3A_277 = arith.divsi %while3A_274, %while3A_276 : i32
          %while3A_278 = arith.muli %while3A_277, %while3A_276 : i32
          %while3A_279 = arith.addi %while3A, %while3A_278 : i32
          %while3A_280 = arith.constant 1 : i32
          %while3A_281:2 = scf.for %while3A_314 = %while3A to %while3A_279 step %while3A_280 iter_args(%while3A_315 = %broadcast_in_dim3A_271, %while3A_316 = %broadcast_in_dim3A_273) -> (vector<16xf32>, vector<16xi32>)  : i32 {
            %mul3A_317 = arith.constant 16 : i32
            %mul3A_318 = arith.muli %while3A_314, %mul3A_317 : i32
            %get3A_319 = arith.index_cast %mul3A_318 : i32 to index
            %get3A_320 = tpu.vector_load %arg14[%get3A_319] {strides = array<i32>} : memref<4128xi32, #tpu.memory_space<vmem>>, vector<16xi32>,
            %jit3A_321 = arith.constant 0 : i32
            %jit3A_322 = arith.constant 32767 : i32
            %max3A_323 = vector.broadcast %jit3A_321 : i32 to vector<16xi32>
            %max3A_324 = arith.maxsi %max3A_323, %get3A_320 : vector<16xi32>
            %min3A_325 = vector.broadcast %jit3A_322 : i32 to vector<16xi32>
            %min3A_326 = arith.minsi %min3A_325, %max3A_324 : vector<16xi32>
            %gather3A = tpu.vector_load_idx %arg9[%min3A_326] : memref<32768xf32, #tpu.memory_space<vmem>>[vector<16xi32>], vector<16xf32>,
            %mul3A_327 = arith.constant 16 : i32
            %mul3A_328 = arith.muli %while3A_314, %mul3A_327 : i32
            %broadcast_in_dim3A_329 = vector.broadcast %mul3A_328 : i32 to vector<16xi32>
            %add3A_330 = arith.addi %iota3A, %broadcast_in_dim3A_329 : vector<16xi32>
            %broadcast_in_dim3A_331 = vector.broadcast %scan3A_233 : i32 to vector<16xi32>
            %lt3A = arith.cmpi slt, %add3A_330, %broadcast_in_dim3A_331 : vector<16xi32>
            %jit3A_332 = arith.constant -3.000000e+38 : f32
            %broadcast_in_dim3A_333 = vector.broadcast %jit3A_332 : f32 to vector<16xf32>
            %select_n3A_334 = arith.select %lt3A, %gather3A, %broadcast_in_dim3A_333 : vector<16xi1>, vector<16xf32>
            %jit3A_335 = arith.constant 1073741824 : i32
            %broadcast_in_dim3A_336 = vector.broadcast %jit3A_335 : i32 to vector<16xi32>
            %select_n3A_337 = arith.select %lt3A, %get3A_320, %broadcast_in_dim3A_336 : vector<16xi1>, vector<16xi32>
            %gt3A = arith.cmpf ogt, %select_n3A_334, %while3A_315 : vector<16xf32>
            %eq3A_338 = arith.cmpf oeq, %select_n3A_334, %while3A_315 : vector<16xf32>
            %lt3A_339 = arith.cmpi slt, %select_n3A_337, %while3A_316 : vector<16xi32>
            %and3A_340 = arith.andi %eq3A_338, %lt3A_339 : vector<16xi1>
            %or3A = arith.ori %gt3A, %and3A_340 : vector<16xi1>
            %select_n3A_341 = arith.select %or3A, %select_n3A_334, %while3A_315 : vector<16xi1>, vector<16xf32>
            %select_n3A_342 = arith.select %or3A, %select_n3A_337, %while3A_316 : vector<16xi1>, vector<16xi32>
            scf.yield %select_n3A_341, %select_n3A_342 : vector<16xf32>, vector<16xi32>
          }
          %while3A_282 = arith.constant 1 : i32
          %while3A_283:2 = scf.for %while3A_314 = %while3A_279 to %while3A_275 step %while3A_282 iter_args(%while3A_315 = %while3A_281#0, %while3A_316 = %while3A_281#1) -> (vector<16xf32>, vector<16xi32>)  : i32 {
            %mul3A_317 = arith.constant 16 : i32
            %mul3A_318 = arith.muli %while3A_314, %mul3A_317 : i32
            %get3A_319 = arith.index_cast %mul3A_318 : i32 to index
            %get3A_320 = tpu.vector_load %arg14[%get3A_319] {strides = array<i32>} : memref<4128xi32, #tpu.memory_space<vmem>>, vector<16xi32>,
            %jit3A_321 = arith.constant 0 : i32
            %jit3A_322 = arith.constant 32767 : i32
            %max3A_323 = vector.broadcast %jit3A_321 : i32 to vector<16xi32>
            %max3A_324 = arith.maxsi %max3A_323, %get3A_320 : vector<16xi32>
            %min3A_325 = vector.broadcast %jit3A_322 : i32 to vector<16xi32>
            %min3A_326 = arith.minsi %min3A_325, %max3A_324 : vector<16xi32>
            %gather3A = tpu.vector_load_idx %arg9[%min3A_326] : memref<32768xf32, #tpu.memory_space<vmem>>[vector<16xi32>], vector<16xf32>,
            %mul3A_327 = arith.constant 16 : i32
            %mul3A_328 = arith.muli %while3A_314, %mul3A_327 : i32
            %broadcast_in_dim3A_329 = vector.broadcast %mul3A_328 : i32 to vector<16xi32>
            %add3A_330 = arith.addi %iota3A, %broadcast_in_dim3A_329 : vector<16xi32>
            %broadcast_in_dim3A_331 = vector.broadcast %scan3A_233 : i32 to vector<16xi32>
            %lt3A = arith.cmpi slt, %add3A_330, %broadcast_in_dim3A_331 : vector<16xi32>
            %jit3A_332 = arith.constant -3.000000e+38 : f32
            %broadcast_in_dim3A_333 = vector.broadcast %jit3A_332 : f32 to vector<16xf32>
            %select_n3A_334 = arith.select %lt3A, %gather3A, %broadcast_in_dim3A_333 : vector<16xi1>, vector<16xf32>
            %jit3A_335 = arith.constant 1073741824 : i32
            %broadcast_in_dim3A_336 = vector.broadcast %jit3A_335 : i32 to vector<16xi32>
            %select_n3A_337 = arith.select %lt3A, %get3A_320, %broadcast_in_dim3A_336 : vector<16xi1>, vector<16xi32>
            %gt3A = arith.cmpf ogt, %select_n3A_334, %while3A_315 : vector<16xf32>
            %eq3A_338 = arith.cmpf oeq, %select_n3A_334, %while3A_315 : vector<16xf32>
            %lt3A_339 = arith.cmpi slt, %select_n3A_337, %while3A_316 : vector<16xi32>
            %and3A_340 = arith.andi %eq3A_338, %lt3A_339 : vector<16xi1>
            %or3A = arith.ori %gt3A, %and3A_340 : vector<16xi1>
            %select_n3A_341 = arith.select %or3A, %select_n3A_334, %while3A_315 : vector<16xi1>, vector<16xf32>
            %select_n3A_342 = arith.select %or3A, %select_n3A_337, %while3A_316 : vector<16xi1>, vector<16xi32>
            scf.yield %select_n3A_341, %select_n3A_342 : vector<16xf32>, vector<16xi32>
          }
          %reduce_max3A_284 = arith.constant true
          %reduce_max3A_285 = vector.broadcast %reduce_max3A_284 : i1 to vector<16xi1>
          %reduce_max3A_286 = tpu.scan <max>, %while3A_283#0 masked %reduce_max3A_285 : vector<16xf32>, vector<16xi1> -> vector<16xf32>
          %reduce_max3A_287 = vector.extract %reduce_max3A_286[15] : f32 from vector<16xf32>
          %broadcast_in_dim3A_288 = vector.broadcast %reduce_max3A_287 : f32 to vector<16xf32>
          %eq3A_289 = arith.cmpf oeq, %while3A_283#0, %broadcast_in_dim3A_288 : vector<16xf32>
          %jit3A_290 = arith.constant 1073741824 : i32
          %broadcast_in_dim3A_291 = vector.broadcast %jit3A_290 : i32 to vector<16xi32>
          %select_n3A_292 = arith.select %eq3A_289, %while3A_283#1, %broadcast_in_dim3A_291 : vector<16xi1>, vector<16xi32>
          %reduce_min3A = arith.constant true
          %reduce_min3A_293 = vector.broadcast %reduce_min3A : i1 to vector<16xi1>
          %reduce_min3A_294 = arith.constant -2147483648 : i32
          %reduce_min3A_295 = vector.broadcast %reduce_min3A_294 : i32 to vector<16xi32>
          %reduce_min3A_296 = arith.xori %select_n3A_292, %reduce_min3A_295 : vector<16xi32>
          %reduce_min3A_297 = tpu.scan <min>, %reduce_min3A_296 masked %reduce_min3A_293 : vector<16xi32>, vector<16xi1> -> vector<16xi32>
          %reduce_min3A_298 = arith.xori %reduce_min3A_297, %reduce_min3A_295 : vector<16xi32>
          %reduce_min3A_299 = vector.extract %reduce_min3A_298[15] : i32 from vector<16xi32>
          %broadcast_in_dim3A_300 = vector.broadcast %reduce_min3A_299 : i32 to vector<16xi32>
          %jit3A_301 = arith.constant 0 : i32
          %jit3A_302 = arith.constant 32767 : i32
          %max3A = vector.broadcast %jit3A_301 : i32 to vector<16xi32>
          %max3A_303 = arith.maxsi %max3A, %broadcast_in_dim3A_300 : vector<16xi32>
          %min3A_304 = vector.broadcast %jit3A_302 : i32 to vector<16xi32>
          %min3A_305 = arith.minsi %min3A_304, %max3A_303 : vector<16xi32>
          %broadcast_in_dim3A_306 = arith.constant -3.000000e+38 : f32
          %broadcast_in_dim3A_307 = vector.broadcast %broadcast_in_dim3A_306 : f32 to vector<16xf32>
          %eq3A_308 = arith.constant 0 : i32
          %eq3A_309 = vector.broadcast %eq3A_308 : i32 to vector<16xi32>
          %eq3A_310 = arith.cmpi eq, %iota3A, %eq3A_309 : vector<16xi32>
          tpu.vector_store_idx %arg9[%min3A_305], %broadcast_in_dim3A_307 masked %eq3A_310 : memref<32768xf32, #tpu.memory_space<vmem>>[vector<16xi32>], vector<16xf32>, vector<16xi1>
          %eq3A_311 = vector.broadcast %scan3A_268 : i32 to vector<16xi32>
          %eq3A_312 = arith.cmpi eq, %iota3A, %eq3A_311 : vector<16xi32>
          %select_n3A_313 = arith.select %eq3A_312, %broadcast_in_dim3A_300, %scan3A_269 : vector<16xi1>, vector<16xi32>
          scf.yield %select_n3A_313 : vector<16xi32>
        }
        %scan3A_267 = arith.constant 5 : i32
        scf.yield %scan3A_266 : vector<16xi32>
      } else {
        %broadcast_in_dim3A_239 = arith.constant 0 : i32
        %broadcast_in_dim3A_240 = vector.broadcast %broadcast_in_dim3A_239 : i32 to vector<16xi32>
        %scan3A_241 = arith.constant 0 : i32
        %scan3A_242 = arith.constant 5 : i32
        %scan3A_243 = arith.addi %scan3A_241, %scan3A_242 : i32
        %scan3A_244 = arith.constant 1 : i32
        %scan3A_245 = scf.for %scan3A_247 = %scan3A_241 to %scan3A_243 step %scan3A_244 iter_args(%scan3A_248 = %broadcast_in_dim3A_240) -> (vector<16xi32>)  : i32 {
          %broadcast_in_dim3A_249 = arith.constant -3.000000e+38 : f32
          %broadcast_in_dim3A_250 = vector.broadcast %broadcast_in_dim3A_249 : f32 to vector<16xf32>
          %broadcast_in_dim3A_251 = arith.constant 1073741824 : i32
          %broadcast_in_dim3A_252 = vector.broadcast %broadcast_in_dim3A_251 : i32 to vector<16xi32>
          %scan3A_253 = arith.constant 0 : i32
          %scan3A_254 = arith.constant 2048 : i32
          %scan3A_255 = arith.addi %scan3A_253, %scan3A_254 : i32
          %scan3A_256 = arith.constant 1 : i32
          %scan3A_257:2 = scf.for %scan3A_289 = %scan3A_253 to %scan3A_255 step %scan3A_256 iter_args(%scan3A_290 = %broadcast_in_dim3A_250, %scan3A_291 = %broadcast_in_dim3A_252) -> (vector<16xf32>, vector<16xi32>)  : i32 {
            %mul3A_292 = arith.constant 16 : i32
            %mul3A_293 = arith.muli %scan3A_289, %mul3A_292 : i32
            %get3A_294 = arith.index_cast %mul3A_293 : i32 to index
            %get3A_295 = tpu.vector_load %arg9[%get3A_294] {strides = array<i32>} : memref<32768xf32, #tpu.memory_space<vmem>>, vector<16xf32>,
            %mul3A_296 = arith.constant 16 : i32
            %mul3A_297 = arith.muli %scan3A_289, %mul3A_296 : i32
            %broadcast_in_dim3A_298 = vector.broadcast %mul3A_297 : i32 to vector<16xi32>
            %add3A_299 = arith.addi %iota3A, %broadcast_in_dim3A_298 : vector<16xi32>
            %gt3A = arith.cmpf ogt, %get3A_295, %scan3A_290 : vector<16xf32>
            %eq3A_300 = arith.cmpf oeq, %get3A_295, %scan3A_290 : vector<16xf32>
            %lt3A = arith.cmpi slt, %add3A_299, %scan3A_291 : vector<16xi32>
            %and3A = arith.andi %eq3A_300, %lt3A : vector<16xi1>
            %or3A = arith.ori %gt3A, %and3A : vector<16xi1>
            %select_n3A_301 = arith.select %or3A, %get3A_295, %scan3A_290 : vector<16xi1>, vector<16xf32>
            %select_n3A_302 = arith.select %or3A, %add3A_299, %scan3A_291 : vector<16xi1>, vector<16xi32>
            scf.yield %select_n3A_301, %select_n3A_302 : vector<16xf32>, vector<16xi32>
          }
          %scan3A_258 = arith.constant 2048 : i32
          %reduce_max3A_259 = arith.constant true
          %reduce_max3A_260 = vector.broadcast %reduce_max3A_259 : i1 to vector<16xi1>
          %reduce_max3A_261 = tpu.scan <max>, %scan3A_257#0 masked %reduce_max3A_260 : vector<16xf32>, vector<16xi1> -> vector<16xf32>
          %reduce_max3A_262 = vector.extract %reduce_max3A_261[15] : f32 from vector<16xf32>
          %broadcast_in_dim3A_263 = vector.broadcast %reduce_max3A_262 : f32 to vector<16xf32>
          %eq3A_264 = arith.cmpf oeq, %scan3A_257#0, %broadcast_in_dim3A_263 : vector<16xf32>
          %jit3A_265 = arith.constant 1073741824 : i32
          %broadcast_in_dim3A_266 = vector.broadcast %jit3A_265 : i32 to vector<16xi32>
          %select_n3A_267 = arith.select %eq3A_264, %scan3A_257#1, %broadcast_in_dim3A_266 : vector<16xi1>, vector<16xi32>
          %reduce_min3A = arith.constant true
          %reduce_min3A_268 = vector.broadcast %reduce_min3A : i1 to vector<16xi1>
          %reduce_min3A_269 = arith.constant -2147483648 : i32
          %reduce_min3A_270 = vector.broadcast %reduce_min3A_269 : i32 to vector<16xi32>
          %reduce_min3A_271 = arith.xori %select_n3A_267, %reduce_min3A_270 : vector<16xi32>
          %reduce_min3A_272 = tpu.scan <min>, %reduce_min3A_271 masked %reduce_min3A_268 : vector<16xi32>, vector<16xi1> -> vector<16xi32>
          %reduce_min3A_273 = arith.xori %reduce_min3A_272, %reduce_min3A_270 : vector<16xi32>
          %reduce_min3A_274 = vector.extract %reduce_min3A_273[15] : i32 from vector<16xi32>
          %broadcast_in_dim3A_275 = vector.broadcast %reduce_min3A_274 : i32 to vector<16xi32>
          %jit3A_276 = arith.constant 0 : i32
          %jit3A_277 = arith.constant 32767 : i32
          %max3A = vector.broadcast %jit3A_276 : i32 to vector<16xi32>
          %max3A_278 = arith.maxsi %max3A, %broadcast_in_dim3A_275 : vector<16xi32>
          %min3A_279 = vector.broadcast %jit3A_277 : i32 to vector<16xi32>
          %min3A_280 = arith.minsi %min3A_279, %max3A_278 : vector<16xi32>
          %broadcast_in_dim3A_281 = arith.constant -3.000000e+38 : f32
          %broadcast_in_dim3A_282 = vector.broadcast %broadcast_in_dim3A_281 : f32 to vector<16xf32>
          %eq3A_283 = arith.constant 0 : i32
          %eq3A_284 = vector.broadcast %eq3A_283 : i32 to vector<16xi32>
          %eq3A_285 = arith.cmpi eq, %iota3A, %eq3A_284 : vector<16xi32>
          tpu.vector_store_idx %arg9[%min3A_280], %broadcast_in_dim3A_282 masked %eq3A_285 : memref<32768xf32, #tpu.memory_space<vmem>>[vector<16xi32>], vector<16xf32>, vector<16xi1>
          %eq3A_286 = vector.broadcast %scan3A_247 : i32 to vector<16xi32>
          %eq3A_287 = arith.cmpi eq, %iota3A, %eq3A_286 : vector<16xi32>
          %select_n3A_288 = arith.select %eq3A_287, %broadcast_in_dim3A_275, %scan3A_248 : vector<16xi1>, vector<16xi32>
          scf.yield %select_n3A_288 : vector<16xi32>
        }
        %scan3A_246 = arith.constant 5 : i32
        scf.yield %scan3A_245 : vector<16xi32>
      }
      %swap3A = arith.constant 0 : index
      %swap3A_238 = tpu.vector_load %arg17[%swap3A] {strides = array<i32>} : memref<16xi32, #tpu.memory_space<vmem>>, vector<16xi32>,
      tpu.vector_store %arg17[%swap3A], %cond3A_237 {strides = array<i32>} : memref<16xi32, #tpu.memory_space<vmem>>, vector<16xi32>,
      "tpu.region"() ({
        %run_scoped3A = tpu.sem_alloc : memref<!tpu.dma_semaphore, #tpu.memory_space<semaphore_mem>>
        %dma_start3A_239 = arith.constant 0 : i32
        %dma_start3A_240 = tpu.memref_slice %arg7[%add3A_65, %dma_start3A_239] : memref<128x16xi32, #tpu.memory_space<hbm>> -> memref<1x16xi32, #tpu.memory_space<hbm>>
        %dma_start3A_241 = tpu.memref_squeeze %dma_start3A_240 : memref<1x16xi32, #tpu.memory_space<hbm>> -> memref<16xi32, #tpu.memory_space<hbm>>
        %dma_start3A_242 = arith.constant 0 : i32
        %dma_start3A_243 = tpu.memref_slice %arg7[%add3A_65, %dma_start3A_242] : memref<128x16xi32, #tpu.memory_space<hbm>> -> memref<1x16xi32, #tpu.memory_space<hbm>>
        %dma_start3A_244 = tpu.memref_squeeze %dma_start3A_243 : memref<1x16xi32, #tpu.memory_space<hbm>> -> memref<16xi32, #tpu.memory_space<hbm>>
        tpu.enqueue_dma source(%arg17 : memref<16xi32, #tpu.memory_space<vmem>>) target(%dma_start3A_244 : memref<16xi32, #tpu.memory_space<hbm>>) target_semaphore(%run_scoped3A : memref<!tpu.dma_semaphore, #tpu.memory_space<semaphore_mem>>)
        %dma_wait3A_245 = arith.constant 0 : i32
        %dma_wait3A_246 = tpu.memref_slice %arg7[%add3A_65, %dma_wait3A_245] : memref<128x16xi32, #tpu.memory_space<hbm>> -> memref<1x16xi32, #tpu.memory_space<hbm>>
        %dma_wait3A_247 = tpu.memref_squeeze %dma_wait3A_246 : memref<1x16xi32, #tpu.memory_space<hbm>> -> memref<16xi32, #tpu.memory_space<hbm>>
        %dma_wait3A_248 = arith.constant 0 : i32
        %dma_wait3A_249 = tpu.memref_slice %arg7[%add3A_65, %dma_wait3A_248] : memref<128x16xi32, #tpu.memory_space<hbm>> -> memref<1x16xi32, #tpu.memory_space<hbm>>
        %dma_wait3A_250 = tpu.memref_squeeze %dma_wait3A_249 : memref<1x16xi32, #tpu.memory_space<hbm>> -> memref<16xi32, #tpu.memory_space<hbm>>
        tpu.wait_dma2 semaphore(%run_scoped3A : memref<!tpu.dma_semaphore, #tpu.memory_space<semaphore_mem>>) src(%arg17 : memref<16xi32, #tpu.memory_space<vmem>>) dst(%dma_wait3A_250 : memref<16xi32, #tpu.memory_space<hbm>>)
        tpu.yield
      }) : () -> ()
    }
    %scan3A_33 = arith.constant 4 : i32
    %add3A_34 = arith.constant 4 : i32
    %add3A_35 = arith.addi %mul3A_2, %add3A_34 : i32
    %sub3A = arith.constant 1 : i32
    %sub3A_36 = arith.subi %add3A_35, %sub3A : i32
    %dma_wait3A = arith.constant 0 : i32
    %dma_wait3A_37 = tpu.memref_slice %arg2[%sub3A_36, %dma_wait3A] : memref<128x32768xf32, #tpu.memory_space<hbm>> -> memref<1x8192xf32, #tpu.memory_space<hbm>>
    %dma_wait3A_38 = tpu.memref_squeeze %dma_wait3A_37 : memref<1x8192xf32, #tpu.memory_space<hbm>> -> memref<8192xf32, #tpu.memory_space<hbm>>
    %dma_wait3A_39 = arith.constant 0 : i32
    %dma_wait3A_40 = tpu.memref_slice %arg2[%sub3A_36, %dma_wait3A_39] : memref<128x32768xf32, #tpu.memory_space<hbm>> -> memref<1x8192xf32, #tpu.memory_space<hbm>>
    %dma_wait3A_41 = tpu.memref_squeeze %dma_wait3A_40 : memref<1x8192xf32, #tpu.memory_space<hbm>> -> memref<8192xf32, #tpu.memory_space<hbm>>
    tpu.wait_dma2 semaphore(%arg18 : memref<!tpu.dma_semaphore, #tpu.memory_space<semaphore_mem>>) src(%dma_wait3A_41 : memref<8192xf32, #tpu.memory_space<hbm>>) dst(%arg10 : memref<8192xf32, #tpu.memory_space<vmem>>)
    %dma_wait3A_42 = arith.constant 0 : i32
    %dma_wait3A_43 = tpu.memref_slice %arg3[%sub3A_36, %dma_wait3A_42] : memref<128x32768xf32, #tpu.memory_space<hbm>> -> memref<1x8192xf32, #tpu.memory_space<hbm>>
    %dma_wait3A_44 = tpu.memref_squeeze %dma_wait3A_43 : memref<1x8192xf32, #tpu.memory_space<hbm>> -> memref<8192xf32, #tpu.memory_space<hbm>>
    %dma_wait3A_45 = arith.constant 0 : i32
    %dma_wait3A_46 = tpu.memref_slice %arg3[%sub3A_36, %dma_wait3A_45] : memref<128x32768xf32, #tpu.memory_space<hbm>> -> memref<1x8192xf32, #tpu.memory_space<hbm>>
    %dma_wait3A_47 = tpu.memref_squeeze %dma_wait3A_46 : memref<1x8192xf32, #tpu.memory_space<hbm>> -> memref<8192xf32, #tpu.memory_space<hbm>>
    tpu.wait_dma2 semaphore(%arg20 : memref<!tpu.dma_semaphore, #tpu.memory_space<semaphore_mem>>) src(%dma_wait3A_47 : memref<8192xf32, #tpu.memory_space<hbm>>) dst(%arg12 : memref<8192xf32, #tpu.memory_space<vmem>>)
    %add3A_48 = arith.constant 4 : i32
    %add3A_49 = arith.addi %mul3A_2, %add3A_48 : i32
    %sub3A_50 = arith.constant 1 : i32
    %sub3A_51 = arith.subi %add3A_49, %sub3A_50 : i32
    %dma_wait3A_52 = arith.constant 8192 : i32
    %dma_wait3A_53 = tpu.memref_slice %arg2[%sub3A_51, %dma_wait3A_52] : memref<128x32768xf32, #tpu.memory_space<hbm>> -> memref<1x8192xf32, #tpu.memory_space<hbm>>
    %dma_wait3A_54 = tpu.memref_squeeze %dma_wait3A_53 : memref<1x8192xf32, #tpu.memory_space<hbm>> -> memref<8192xf32, #tpu.memory_space<hbm>>
    %dma_wait3A_55 = arith.constant 8192 : i32
    %dma_wait3A_56 = tpu.memref_slice %arg2[%sub3A_51, %dma_wait3A_55] : memref<128x32768xf32, #tpu.memory_space<hbm>> -> memref<1x8192xf32, #tpu.memory_space<hbm>>
    %dma_wait3A_57 = tpu.memref_squeeze %dma_wait3A_56 : memref<1x8192xf32, #tpu.memory_space<hbm>> -> memref<8192xf32, #tpu.memory_space<hbm>>
    tpu.wait_dma2 semaphore(%arg19 : memref<!tpu.dma_semaphore, #tpu.memory_space<semaphore_mem>>) src(%dma_wait3A_57 : memref<8192xf32, #tpu.memory_space<hbm>>) dst(%arg11 : memref<8192xf32, #tpu.memory_space<vmem>>)
    %dma_wait3A_58 = arith.constant 8192 : i32
    %dma_wait3A_59 = tpu.memref_slice %arg3[%sub3A_51, %dma_wait3A_58] : memref<128x32768xf32, #tpu.memory_space<hbm>> -> memref<1x8192xf32, #tpu.memory_space<hbm>>
    %dma_wait3A_60 = tpu.memref_squeeze %dma_wait3A_59 : memref<1x8192xf32, #tpu.memory_space<hbm>> -> memref<8192xf32, #tpu.memory_space<hbm>>
    %dma_wait3A_61 = arith.constant 8192 : i32
    %dma_wait3A_62 = tpu.memref_slice %arg3[%sub3A_51, %dma_wait3A_61] : memref<128x32768xf32, #tpu.memory_space<hbm>> -> memref<1x8192xf32, #tpu.memory_space<hbm>>
    %dma_wait3A_63 = tpu.memref_squeeze %dma_wait3A_62 : memref<1x8192xf32, #tpu.memory_space<hbm>> -> memref<8192xf32, #tpu.memory_space<hbm>>
    tpu.wait_dma2 semaphore(%arg21 : memref<!tpu.dma_semaphore, #tpu.memory_space<semaphore_mem>>) src(%dma_wait3A_63 : memref<8192xf32, #tpu.memory_space<hbm>>) dst(%arg13 : memref<8192xf32, #tpu.memory_space<vmem>>)
    return
  }
}

module attributes {stable_mosaic.version = 14 : i64} {
  func.func @_tc_dense_body(%arg0: i32, %arg1: memref<8x32768xf32, #tpu.memory_space<vmem>>, %arg2: memref<8x32768xf32, #tpu.memory_space<vmem>>, %arg3: memref<1x32768xi32, #tpu.memory_space<vmem>>, %arg4: memref<8x128xi32, #tpu.memory_space<vmem>>, %arg5: memref<8x128xf32, #tpu.memory_space<vmem>>, %arg6: memref<2xf32, #tpu.memory_space<smem>>, %arg7: memref<8x32768xf32, #tpu.memory_space<vmem>>, %arg8: memref<8x128xf32, #tpu.memory_space<vmem>>) attributes {dimension_semantics = [#tpu.dimension_semantics<arbitrary>], iteration_bounds = array<i64: 16>, scalar_prefetch = 0 : i64, scratch_operands = 0 : i64, tpu.core_type = #tpu.core_type<tc>, window_params = [{transform_indices = @transform_0, window_bounds = array<i64: 8, 32768>}, {transform_indices = @transform_1, window_bounds = array<i64: 8, 32768>}, {pipeline_mode = #tpu.pipeline_mode<synchronous>, transform_indices = @transform_2, window_bounds = array<i64: 1, 32768>}, {transform_indices = @transform_3, window_bounds = array<i64: 8, 128>}, {transform_indices = @transform_4, window_bounds = array<i64: 8, 128>}, {transform_indices = @transform_5, window_bounds = array<i64: 2>}, {transform_indices = @transform_6, window_bounds = array<i64: 8, 32768>}, {transform_indices = @transform_7, window_bounds = array<i64: 8, 128>}]} {
    %get3A = arith.constant 0 : index
    %get3A_0 = memref.load %arg6[%get3A] : memref<2xf32, #tpu.memory_space<smem>>
    %get3A_1 = arith.constant 1 : index
    %get3A_2 = memref.load %arg6[%get3A_1] : memref<2xf32, #tpu.memory_space<smem>>
    %get3A_3 = arith.constant 0 : index
    %get3A_4 = arith.constant 0 : index
    %get3A_5 = vector.load %arg1[%get3A_3, %get3A_4] : memref<8x32768xf32, #tpu.memory_space<vmem>>, vector<8x32768xf32>
    %get3A_6 = arith.constant 0 : index
    %get3A_7 = arith.constant 0 : index
    %get3A_8 = vector.load %arg2[%get3A_6, %get3A_7] : memref<8x32768xf32, #tpu.memory_space<vmem>>, vector<8x32768xf32>
    %reduce_max3A = arith.constant dense<0xFF800000> : vector<8xf32>
    %reduce_max3A_9 = vector.multi_reduction <maximumf>, %get3A_5, %reduce_max3A [1] : vector<8x32768xf32> to vector<8xf32>
    %broadcast_in_dim3A = vector.shape_cast %reduce_max3A_9 : vector<8xf32> to vector<8x1xf32>
    %reduce_max3A_10 = arith.constant dense<0xFF800000> : vector<8xf32>
    %reduce_max3A_11 = vector.multi_reduction <maximumf>, %get3A_8, %reduce_max3A_10 [1] : vector<8x32768xf32> to vector<8xf32>
    %broadcast_in_dim3A_12 = vector.shape_cast %reduce_max3A_11 : vector<8xf32> to vector<8x1xf32>
    %sub3A = vector.broadcast %broadcast_in_dim3A : vector<8x1xf32> to vector<8x32768xf32>
    %sub3A_13 = arith.subf %get3A_5, %sub3A : vector<8x32768xf32>
    %exp3A = math.exp %sub3A_13 : vector<8x32768xf32>
    %reduce_sum3A = arith.constant dense<0.000000e+00> : vector<8xf32>
    %reduce_sum3A_14 = vector.multi_reduction <add>, %exp3A, %reduce_sum3A [1] : vector<8x32768xf32> to vector<8xf32>
    %broadcast_in_dim3A_15 = vector.shape_cast %reduce_sum3A_14 : vector<8xf32> to vector<8x1xf32>
    %log3A = math.log %broadcast_in_dim3A_15 : vector<8x1xf32>
    %sub3A_16 = vector.broadcast %broadcast_in_dim3A_12 : vector<8x1xf32> to vector<8x32768xf32>
    %sub3A_17 = arith.subf %get3A_8, %sub3A_16 : vector<8x32768xf32>
    %exp3A_18 = math.exp %sub3A_17 : vector<8x32768xf32>
    %reduce_sum3A_19 = arith.constant dense<0.000000e+00> : vector<8xf32>
    %reduce_sum3A_20 = vector.multi_reduction <add>, %exp3A_18, %reduce_sum3A_19 [1] : vector<8x32768xf32> to vector<8xf32>
    %broadcast_in_dim3A_21 = vector.shape_cast %reduce_sum3A_20 : vector<8xf32> to vector<8x1xf32>
    %log3A_22 = math.log %broadcast_in_dim3A_21 : vector<8x1xf32>
    %add3A = arith.addf %broadcast_in_dim3A, %log3A : vector<8x1xf32>
    %mul3A = vector.broadcast %get3A_0 : f32 to vector<8x1xf32>
    %mul3A_23 = arith.mulf %add3A, %mul3A : vector<8x1xf32>
    %add3A_24 = arith.addf %broadcast_in_dim3A_12, %log3A_22 : vector<8x1xf32>
    %mul3A_25 = vector.broadcast %get3A_2 : f32 to vector<8x1xf32>
    %mul3A_26 = arith.mulf %add3A_24, %mul3A_25 : vector<8x1xf32>
    %add3A_27 = arith.addf %mul3A_23, %mul3A_26 : vector<8x1xf32>
    %get3A_28 = arith.constant 0 : index
    %get3A_29 = arith.constant 0 : index
    %get3A_30 = vector.load %arg3[%get3A_28, %get3A_29] : memref<1x32768xi32, #tpu.memory_space<vmem>>, vector<1x32768xi32>
    %gt3A = arith.constant 0 : i32
    %gt3A_31 = vector.broadcast %gt3A : i32 to vector<1x32768xi32>
    %gt3A_32 = arith.cmpi sgt, %get3A_30, %gt3A_31 : vector<1x32768xi32>
    %jit3A = arith.constant 0.000000e+00 : f32
    %jit3A_33 = arith.constant -9.999990e+05 : f32
    %broadcast_in_dim3A_34 = vector.broadcast %jit3A : f32 to vector<1x32768xf32>
    %broadcast_in_dim3A_35 = vector.broadcast %jit3A_33 : f32 to vector<1x32768xf32>
    %select_n3A = arith.select %gt3A_32, %broadcast_in_dim3A_34, %broadcast_in_dim3A_35 : vector<1x32768xi1>, vector<1x32768xf32>
    %mul3A_36 = vector.broadcast %get3A_0 : f32 to vector<8x32768xf32>
    %mul3A_37 = arith.mulf %get3A_5, %mul3A_36 : vector<8x32768xf32>
    %mul3A_38 = vector.broadcast %get3A_2 : f32 to vector<8x32768xf32>
    %mul3A_39 = arith.mulf %get3A_8, %mul3A_38 : vector<8x32768xf32>
    %add3A_40 = arith.addf %mul3A_37, %mul3A_39 : vector<8x32768xf32>
    %sub3A_41 = vector.broadcast %select_n3A : vector<1x32768xf32> to vector<8x32768xf32>
    %sub3A_42 = vector.broadcast %add3A_27 : vector<8x1xf32> to vector<8x32768xf32>
    %sub3A_43 = arith.subf %sub3A_41, %sub3A_42 : vector<8x32768xf32>
    %add3A_44 = arith.addf %add3A_40, %sub3A_43 : vector<8x32768xf32>
    %swap3A = arith.constant 0 : index
    %swap3A_45 = arith.constant 0 : index
    %swap3A_46 = vector.load %arg7[%swap3A, %swap3A_45] : memref<8x32768xf32, #tpu.memory_space<vmem>>, vector<8x32768xf32>
    tpu.vector_store %arg7[%swap3A, %swap3A_45], %add3A_44 {strides = array<i32>} : memref<8x32768xf32, #tpu.memory_space<vmem>>, vector<8x32768xf32>,
    %reduce_max3A_47 = arith.constant dense<0xFF800000> : vector<8xf32>
    %reduce_max3A_48 = vector.multi_reduction <maximumf>, %add3A_44, %reduce_max3A_47 [1] : vector<8x32768xf32> to vector<8xf32>
    %broadcast_in_dim3A_49 = vector.shape_cast %reduce_max3A_48 : vector<8xf32> to vector<8x1xf32>
    %sub3A_50 = vector.broadcast %broadcast_in_dim3A_49 : vector<8x1xf32> to vector<8x32768xf32>
    %sub3A_51 = arith.subf %add3A_44, %sub3A_50 : vector<8x32768xf32>
    %exp3A_52 = math.exp %sub3A_51 : vector<8x32768xf32>
    %reduce_sum3A_53 = arith.constant dense<0.000000e+00> : vector<8xf32>
    %reduce_sum3A_54 = vector.multi_reduction <add>, %exp3A_52, %reduce_sum3A_53 [1] : vector<8x32768xf32> to vector<8xf32>
    %broadcast_in_dim3A_55 = vector.shape_cast %reduce_sum3A_54 : vector<8xf32> to vector<8x1xf32>
    %log3A_56 = math.log %broadcast_in_dim3A_55 : vector<8x1xf32>
    %add3A_57 = arith.addf %log3A_56, %broadcast_in_dim3A_49 : vector<8x1xf32>
    %iota3A = tpu.iota {dimensions = array<i32: 1>} : vector<8x32768xi32>
    %get3A_58 = arith.constant 0 : index
    %get3A_59 = arith.constant 0 : index
    %get3A_60 = vector.load %arg4[%get3A_58, %get3A_59] : memref<8x128xi32, #tpu.memory_space<vmem>>, vector<8x128xi32>
    %slice3A = vector.extract_strided_slice %get3A_60 {offsets = [0, 0], sizes = [8, 1], strides = [1, 1]} : vector<8x128xi32> to vector<8x1xi32>
    %eq3A = vector.broadcast %slice3A : vector<8x1xi32> to vector<8x32768xi32>
    %eq3A_61 = arith.cmpi eq, %iota3A, %eq3A : vector<8x32768xi32>
    %jit3A_62 = arith.constant 0.000000e+00 : f32
    %broadcast_in_dim3A_63 = vector.broadcast %jit3A_62 : f32 to vector<8x32768xf32>
    %select_n3A_64 = arith.select %eq3A_61, %add3A_44, %broadcast_in_dim3A_63 : vector<8x32768xi1>, vector<8x32768xf32>
    %reduce_sum3A_65 = arith.constant dense<0.000000e+00> : vector<8xf32>
    %reduce_sum3A_66 = vector.multi_reduction <add>, %select_n3A_64, %reduce_sum3A_65 [1] : vector<8x32768xf32> to vector<8xf32>
    %broadcast_in_dim3A_67 = vector.shape_cast %reduce_sum3A_66 : vector<8xf32> to vector<8x1xf32>
    %get3A_68 = arith.constant 0 : index
    %get3A_69 = arith.constant 0 : index
    %get3A_70 = vector.load %arg5[%get3A_68, %get3A_69] : memref<8x128xf32, #tpu.memory_space<vmem>>, vector<8x128xf32>
    %slice3A_71 = vector.extract_strided_slice %get3A_70 {offsets = [0, 0], sizes = [8, 1], strides = [1, 1]} : vector<8x128xf32> to vector<8x1xf32>
    %sub3A_72 = arith.subf %add3A_57, %broadcast_in_dim3A_67 : vector<8x1xf32>
    %mul3A_73 = arith.mulf %sub3A_72, %slice3A_71 : vector<8x1xf32>
    %iota3A_74 = tpu.iota {dimensions = array<i32: 1>} : vector<8x128xi32>
    %eq3A_75 = arith.constant 0 : i32
    %eq3A_76 = vector.broadcast %eq3A_75 : i32 to vector<8x128xi32>
    %eq3A_77 = arith.cmpi eq, %iota3A_74, %eq3A_76 : vector<8x128xi32>
    %jit3A_78 = arith.constant 0.000000e+00 : f32
    %broadcast_in_dim3A_79 = vector.shape_cast %mul3A_73 : vector<8x1xf32> to vector<8x1xf32>
    %broadcast_in_dim3A_80 = vector.broadcast %broadcast_in_dim3A_79 : vector<8x1xf32> to vector<8x128xf32>
    %broadcast_in_dim3A_81 = vector.broadcast %jit3A_78 : f32 to vector<8x128xf32>
    %select_n3A_82 = arith.select %eq3A_77, %broadcast_in_dim3A_80, %broadcast_in_dim3A_81 : vector<8x128xi1>, vector<8x128xf32>
    %swap3A_83 = arith.constant 0 : index
    %swap3A_84 = arith.constant 0 : index
    %swap3A_85 = vector.load %arg8[%swap3A_83, %swap3A_84] : memref<8x128xf32, #tpu.memory_space<vmem>>, vector<8x128xf32>
    tpu.vector_store %arg8[%swap3A_83, %swap3A_84], %select_n3A_82 {strides = array<i32>} : memref<8x128xf32, #tpu.memory_space<vmem>>, vector<8x128xf32>,
    return
  }
  func.func @transform_0(%arg0: i32) -> (i32, i32) {
    %c0_i32 = arith.constant 0 : i32
    %c0_i32_0 = arith.constant 0 : i32
    return %arg0, %c0_i32 : i32, i32
  }
  func.func @transform_1(%arg0: i32) -> (i32, i32) {
    %c0_i32 = arith.constant 0 : i32
    %c0_i32_0 = arith.constant 0 : i32
    return %arg0, %c0_i32 : i32, i32
  }
  func.func @transform_2(%arg0: i32) -> (i32, i32) {
    %c0_i32 = arith.constant 0 : i32
    %c0_i32_0 = arith.constant 0 : i32
    %c0_i32_1 = arith.constant 0 : i32
    return %c0_i32, %c0_i32_0 : i32, i32
  }
  func.func @transform_3(%arg0: i32) -> (i32, i32) {
    %c0_i32 = arith.constant 0 : i32
    %c0_i32_0 = arith.constant 0 : i32
    return %arg0, %c0_i32 : i32, i32
  }
  func.func @transform_4(%arg0: i32) -> (i32, i32) {
    %c0_i32 = arith.constant 0 : i32
    %c0_i32_0 = arith.constant 0 : i32
    return %arg0, %c0_i32 : i32, i32
  }
  func.func @transform_5(%arg0: i32) -> i32 {
    %c0_i32 = arith.constant 0 : i32
    %c0_i32_0 = arith.constant 0 : i32
    return %c0_i32 : i32
  }
  func.func @transform_6(%arg0: i32) -> (i32, i32) {
    %c0_i32 = arith.constant 0 : i32
    %c0_i32_0 = arith.constant 0 : i32
    return %arg0, %c0_i32 : i32, i32
  }
  func.func @transform_7(%arg0: i32) -> (i32, i32) {
    %c0_i32 = arith.constant 0 : i32
    %c0_i32_0 = arith.constant 0 : i32
    return %arg0, %c0_i32 : i32, i32
  }
}

</mosaic_0001>

<sc_bundles>
// kernel: kernel.4.cloned.1.call-start
scs
__scs_entry_jumppad:
0x0: {  	(pc) =	sbr.rel $0x88, $3  }
0x1: {  	(tag) =	ssettag $0x0;
	lr =	simm.s32 $0x1  }
0x2: {  	[smem:$0x3F9B] =	sst lr;
	_ =	strace $0xD0000000  }
0x3: {  	_ = 	snop  }
0x4: {  	_ = 	snop  }
0x5: {  	_ = 	snop  }
0x6: {  	_ = 	snop  }
0x7: {  	_ = 	snop  }
__scs_overlays_trampoline_lowered:
0x8: {  	[smem:$0x3FAA] =	sst s0  }
0x9: {  	[smem:$0x3FAB] =	sst s1  }
0xa: {  	[smem:$0x3FAC] =	sst s2  }
0xb: {  	[smem:$0x3FAD] =	sst s3  }
0xc: {  	[smem:$0x3FAE] =	sst s4  }
0xd: {  	[smem:$0x3FAF] =	sst s5  }
0xe: {  	[smem:$0x3FB0] =	sst s6  }
0xf: {  	[smem:$0x3FB1] =	sst s7  }
0x10: {  	[smem:$0x3FB2] =	sst s8  }
0x11: {  	[smem:$0x3FB3] =	sst s9;
	s0 =	simm.s32 @!p0 $0x0  }
0x12: {  	s1 =	sld [smem:$0x3F99];
	s0 =	simm.s32 @p0 $0x1  }
0x13: {  	[smem:$0x3FB4] =	sst s0;
	s0 =	simm.s32 @!p1 $0x0  }
0x14: {  	s2 =	sld [smem:$0x3F98];
	s0 =	simm.s32 @p1 $0x1  }
0x15: {  	[smem:$0x3FB5] =	sst s0;
	s0 =	simm.s32 @!p2 $0x0  }
0x16: {  	s3 =	sld [smem:$0x3FDB];
	s0 =	simm.s32 @p2 $0x1  }
0x17: {  	s4 =	simm.s32 $0x1BF5;
	[smem:$0x3FB7] =	sst s0  }
0x18: {  	s0 =	sld [smem:$0x3F9A];
	_ =	swait.ge [sflag:s4], $0x0  }
0x19: {  	s7 =	sld [smem:$0x3F9B]  }
0x1a: {  	s8 =	sadd.s32 $0xFFFFE003, lr  }
0x1b: {  	s9 =	sadd.s32 $0xFFFFFEF7, lr;
	s5 =	simm.s32 $0xFFFFFFFF;
	p2 =	slt.u32 s8, $0xFFFFF086  }
0x1c: {  	p1 =	slt.u32 s9, $0xF7A;
	s5 =	simm.s32 @!p2 $0x0  }
0x1d: {  	s5 =	simm.s32 @p1 $0x1;
	p0 =	seq.s32 s7, s2  }
0x1e: {  	s7 =	smul.u32 @!p0 $0xF7A, s2;
	p2 =	seq.s32 @!p0 s5, $0x0  }
0x1f: {  	s9 =	smul.u32 $0xF7A, s1;
	s8 =	simm.s32 @!p0 $0x1BF5;
	p2 =	por !p2, p0  }
0x20: {  	[sflag:s8] =	ssyncset.s32 @!p0 $0xFFFFF086;
	s6 =	sadd.s32 @!p0 s3, s7;
	s7 =	simm.s32 @!p0 $0x108  }
0x21: {  	s3 =	sadd.s32 s3, s9;
	s6 =	sadd.s32 @!p0 $0x88, s6;
	s7 =	simm.s32 @p2 $0x1082  }
0x22: {  	[simem:s7], [sflag:s8] =	dma.local @!p0 [hbm:s6], $0xF7A  }
0x23: {  	s9 =	sor.u32 $0xD0000000, s2;
	s6 =	simm.s32 $0x108;
	_ =	swait.ge @!p0 [sflag:s8], $0x0  }
0x24: {  	s3 =	sadd.s32 $0x88, s3;
	s6 =	simm.s32 @!p1 $0x1082;
	[sflag:s4] =	ssyncset.s32 $0xFFFFF086  }
0x25: {  	[simem:s6], [sflag:s4] =	dma.local [hbm:s3], $0xF7A  }
0x26: {  	[smem:$0x3F9B] =	sst s1;
	(tag) =	ssettag s2;
	_ =	strace s9  }
0x27: {  	s1 =	sld [smem:$0x3FAB]  }
0x28: {  	s2 =	sld [smem:$0x3FAC]  }
0x29: {  	s4 =	sld [smem:$0x3FAE]  }
0x2a: {  	p0 =	seq.s32 s5, $0x0;
	s5 =	sld [smem:$0x3FAF]  }
0x2b: {  	s6 =	sld [smem:$0x3FB0]  }
0x2c: {  	s7 =	sld [smem:$0x3FB1]  }
0x2d: {  	s3 =	simm.s32 $0x108;
	s8 =	sld [smem:$0x3FB2]  }
0x2e: {  	s3 =	simm.s32 @!p0 $0x1082;
	s9 =	sld [smem:$0x3FB3]  }
0x2f: {  	lr =	sadd.s32 s0, s3;
	s0 =	sld [smem:$0x3FAA]  }
0x30: {  	s3 =	sld [smem:$0x3FAD]  }
0x31: {  	[smem:$0x3FB6] =	sst s10  }
0x32: {  	s10 =	sld [smem:$0x3FB4];
	_ =	sdelay $0x3  }
0x33: {  	p0 =	seq.s32 s10, $0x1;
	s10 =	sld [smem:$0x3FB6];
	_ =	sdelay $0x3  }
0x34: {  	[smem:$0x3FB6] =	sst s10  }
0x35: {  	s10 =	sld [smem:$0x3FB5];
	_ =	sdelay $0x3  }
0x36: {  	p1 =	seq.s32 s10, $0x1;
	s10 =	sld [smem:$0x3FB6];
	_ =	sdelay $0x3  }
0x37: {  	[smem:$0x3FB6] =	sst s10  }
0x38: {  	s10 =	sld [smem:$0x3FB7]  }
0x39: {  	_ = 	snop;
	(pc) =	sbr.ind lr, $3  }
0x3a: {  	_ = 	snop  }
0x3b: {  	_ = 	snop  }
0x3c: {  	p2 =	seq.s32 s10, $0x1;
	s10 =	sld [smem:$0x3FB6]  }
0x3d: {  	_ =	shalt  }
0x3e: {  	_ =	shalt  }
0x3f: {  	_ =	shalt  }
0x40: {  	_ =	shalt  }
0x41: {  	_ =	shalt  }
0x42: {  	_ =	shalt  }
0x43: {  	_ =	shalt  }
0x44: {  	_ =	shalt  }
0x45: {  	_ =	shalt  }
0x46: {  	_ =	shalt  }
0x47: {  	_ =	shalt  }
0x48: {  	_ =	shalt  }
0x49: {  	_ =	shalt  }
0x4a: {  	_ =	shalt  }
0x4b: {  	_ =	shalt  }
0x4c: {  	_ =	shalt  }
0x4d: {  	_ =	shalt  }
0x4e: {  	_ =	shalt  }
0x4f: {  	_ =	shalt  }
0x50: {  	_ =	shalt  }
0x51: {  	_ =	shalt  }
0x52: {  	_ =	shalt  }
0x53: {  	_ =	shalt  }
0x54: {  	_ =	shalt  }
0x55: {  	_ =	shalt  }
0x56: {  	_ =	shalt  }
0x57: {  	_ =	shalt  }
0x58: {  	_ =	shalt  }
0x59: {  	_ =	shalt  }
0x5a: {  	_ =	shalt  }
0x5b: {  	_ =	shalt  }
0x5c: {  	_ =	shalt  }
0x5d: {  	_ =	shalt  }
0x5e: {  	_ =	shalt  }
0x5f: {  	_ =	shalt  }
0x60: {  	_ =	shalt  }
0x61: {  	_ =	shalt  }
0x62: {  	_ =	shalt  }
0x63: {  	_ =	shalt  }
0x64: {  	_ =	shalt  }
0x65: {  	_ =	shalt  }
0x66: {  	_ =	shalt  }
0x67: {  	_ =	shalt  }
0x68: {  	_ =	shalt  }
0x69: {  	_ =	shalt  }
0x6a: {  	_ =	shalt  }
0x6b: {  	_ =	shalt  }
0x6c: {  	_ =	shalt  }
0x6d: {  	_ =	shalt  }
0x6e: {  	_ =	shalt  }
0x6f: {  	_ =	shalt  }
0x70: {  	_ =	shalt  }
0x71: {  	_ =	shalt  }
0x72: {  	_ =	shalt  }
0x73: {  	_ =	shalt  }
0x74: {  	_ =	shalt  }
0x75: {  	_ =	shalt  }
0x76: {  	_ =	shalt  }
0x77: {  	_ =	shalt  }
0x78: {  	_ =	shalt  }
0x79: {  	_ =	shalt  }
0x7a: {  	_ =	shalt  }
0x7b: {  	_ =	shalt  }
0x7c: {  	_ =	shalt  }
0x7d: {  	_ =	shalt  }
0x7e: {  	_ =	shalt  }
0x7f: {  	_ =	shalt  }
0x80: {  	_ =	shalt  }
0x81: {  	_ =	shalt  }
0x82: {  	_ =	shalt  }
0x83: {  	_ =	shalt  }
0x84: {  	_ =	shalt  }
0x85: {  	_ =	shalt  }
0x86: {  	_ =	shalt  }
0x87: {  	_ =	shalt  }
.Lfunc_end0:
.L_simem_size_0:
called_computation_lowered:
.L_overlay_start_0:
0x88: {  	s2 =	sld [smem:$0x3FD9]  }
0x89: {  	s3 =	sld [smem:$0x3FFE];
	_ =	sdelay $0x1  }
0x8a: {  	s1 =	srdreg.scid  }
0x8b: {  	s0 =	sand.u32 $0x1, s1  }
0x8c: {  	s14 =	sshll.u32 s0, $0xA;
	s2 =	sadd.s32 s3, s2  }
0x8d: {  	s2 =	sadd.s32 s2, s14  }
0x8e: {  	[smem:$0x3FC2] =	sst s2  }
0x8f: {  	_ = 	snop  }
0x90: {  	s2 =	sld [smem:$0x3FD0]  }
0x91: {  	s15 =	sld [smem:$0x3FC9]  }
0x92: {  	s4 =	sld [smem:$0x3FC8]  }
0x93: {  	s6 =	simm.s32 $0xA;
	s7 =	simm.s32 $0x10;
	s5 =	sld [smem:$0x3FC7]  }
0x94: {  	[smem:s7], [sflag:s6] =	dma.local [hbm:s2], $0x1  }
0x95: {  	_ =	swait.eq [sflag:s6], $0x1  }
0x96: {  	[sflag:s6] =	ssyncset.done $0x0  }
0x97: {  	[sflag:s6] =	ssyncadd.s32 $0xFFFFFFFF  }
0x98: {  	s16 =	sld [smem:$0x12];
	(tm) =	ssettm $0x1  }
0x99: {  	s17 =	sld [smem:$0x3FFB];
	_ =	sdelay $0x3  }
0x9a: {  	_ =	strace s17  }
0x9b: {  	s6 =	sld [smem:$0x3FFC];
	_ =	sdelay $0x3  }
0x9c: {  	_ =	strace s6  }
0x9d: {  	s6 =	sld [smem:$0x3FFD];
	_ =	sdelay $0x3  }
0x9e: {  	_ =	strace s6  }
0x9f: {  	_ =	strace $0x8FFFFFFF  }
0xa0: {  	s18 =	sld [smem:$0x3FDB];
	_ =	sdelay $0x1  }
0xa1: {  	s19 =	simm.s32 $_scs_section_size  }
0xa2: {  	s8 =	simm.s32 $_size__tile_overlayer_lowered;
	s9 =	simm.s32 $_tile_overlayer_lowered  }
0xa3: {  	s22 =	simm.s32 $0x1BFF;
	s21 =	sshll.u32 s9, $0x1;
	s6 =	sadd.s32 s19, s18  }
0xa4: {  	s10 =	simm.s32 $0x0;
	s20 =	sshll.u32 s8, $0x1;
	s8 =	sadd.s32 s21, s6  }
0xa5: {  	[timem:s10], [sflag:s22] =	dma.local [hbm:s8], s20  }
0xa6: {  	_ =	swait.ge [sflag:s22], s20  }
0xa7: {  	s7 =	ssub.s32 $0x0, s20;
	[sflag:s22] =	ssyncset.done $0x0  }
0xa8: {  	[sflag:s22] =	ssyncadd.s32 s7;
	_ =	sdelay $0x1  }
0xa9: {  	s23 =	simm.s32 $0x1B8B  }
0xaa: {  	_ =	swait.ge [sflag:s23], $0x1  }
0xab: {  	[sflag:s23] =	ssyncset.done $0x0  }
0xac: {  	s25 =	simm.s32 $0x1B8E;
	s24 =	sld [smem:$0x3FFE];
	[sflag:s23] =	ssyncadd.s32 $0xFFFFFFFF  }
0xad: {  	s26 =	simm.s32 $execute0_lowered;
	[smem:$0x3FD2] =	sst s25  }
0xae: {  	s8 =	sshll.u32 s26, $0x1;
	_ =	strace $0x80000046;
	[dreg:$0x1] =	wrdreg $0xFFFFFFFF  }
0xaf: {  	s28 =	simm.s32 $_size_execute0_lowered;
	s6 =	sadd.s32 s6, s8;
	[dreg:$0x0] =	wrdreg $0x0  }
0xb0: {  	s8 =	sshll.u32 s28, $0x1;
	[dreg:$0x2] =	wrdreg s6  }
0xb1: {  	[dreg:$0x3] =	wrdreg s8  }
0xb2: {  	[dreg:$0x4] =	wrdreg $0xC0  }
0xb3: {  	_ =	task [dreg:s10], $0x5FFFF  }
0xb4: {  	[dreg:$0x1] =	wrdreg $0xFFFFFFFF  }
0xb5: {  	[dreg:$0x0] =	wrdreg $0x60  }
0xb6: {  	[dreg:$0x2] =	wrdreg s15  }
0xb7: {  	[dreg:$0x3] =	wrdreg s4  }
0xb8: {  	[dreg:$0x4] =	wrdreg s5  }
0xb9: {  	[dreg:$0x5] =	wrdreg s24  }
0xba: {  	[dreg:$0x6] =	wrdreg s16  }
0xbb: {  	[dreg:$0x7] =	wrdreg $0x9  }
0xbc: {  	_ =	task.clear_ibuf [dreg:s10], $0x8FFFF;
	_ =	strace $0x90000046  }
0xbd: {  	s29 =	simm.s32 $0x9;
	_ =	strace $0x80000048  }
0xbe: {  	_ =	swait.ge [sflag:s29], $0x1  }
0xbf: {  	[sflag:s29] =	ssyncadd.s32 $0xFFFFFFFF  }
0xc0: {  	_ =	strace $0x90000048  }
0xc1: {  	_ =	sfence  }
0xc2: {  	s30 =	sld [smem:$0x0];
	_ =	sdelay $0x2  }
0xc3: {  	s31 =	sshll.u32 s1, $0xD;
	s1 =	sshrl.u32 s1, $0x2  }
0xc4: {  	s3 =	sand.u32 $0x4000, s31;
	s1 =	sadd.s32 s1, s30  }
0xc5: {  	s0 =	sor.u32 s3, s0;
	s1 =	sshll.u32 s1, $0x11  }
0xc6: {  	s0 =	sor.u32 s1, s0  }
0xc7: {  	s0 =	sadd.s32 $0x8F2B, s0  }
0xc8: {  	[sflag:s0] =	ssyncadd.remote.s32 $0x1  }
0xc9: {  	_ =	sfence.sel $0xFFFF  }
0xca: {  	[dreg:$0x0] =	wrdreg $0xFFFFFFFF;
	(pc) =	sbr.abs _section_cstart, $3  }
0xcb: {  	[dreg:$0x1] =	wrdreg $0xFFFFFFFF  }
0xcc: {  	_ =	task.clear_ibuf [dreg:s10], $0x2FFFF;
	_ =	strace $0x9FFFFFFF  }
0xcd: {  	(tm) =	ssettm $0x7FFFFFFF  }
tec
execute0_lowered:
.L_overlay_start_1:
0x0: {  	(tag) =	ssettag $0x1  }
0x1: {  	s1 =	rddreg [dreg:$0x0]  }
0x2: {  	s2 =	rddreg [dreg:$0x1]  }
0x3: {  	s0 =	rddreg [dreg:$0x3];
	s4 =	simm.s32 $0x0  }
0x4: {  	s3 =	srdreg.scid;
	s5 =	stileid.u32;
	s29 =	simm.s32 $0x1  }
0x5: {  	s30 =	simm.s32 $0x3;
	s31 =	simm.s32 $0x2;
	[smem:$0x7FF] =	sst s4  }
0x6: {  	s3 =	sand.u32 $0x1, s3;
	s19 =	sadd.s32 $0xE00, s0;
	s0 =	sadd.s32 $0x1000, s0  }
0x7: {  	s22 =	sshll.u32 s5, $0xF;
	s7 =	sshll.u32 s5, $0x3;
	s28 =	sshll.u32 s5, $0x12  }
0x8: {  	s16 =	sshll.u32 s5, $0xA;
	_ =	strace $0x80000047;
	[dreg:$0x6] =	wrdreg s19  }
0x9: {  	s20 =	ssub.s32 $0x2, s3;
	[dreg:$0x7] =	wrdreg s0;
	s6 =	sshll.u32 s3, $0x6  }
0xa: {  	s3 =	sshll.u32 s3, $0x2;
	[dreg:$0xc] =	wrdreg s28;
	s19 =	simm.s32 $0x6  }
0xb: {  	s21 =	sshrl.u32 s20, $0x1;
	s4 =	sor.u32 s6, s22;
	s23 =	sor.u32 s3, s7  }
0xc: {  	s22 =	simm.s32 $0x400;
	s6 =	simm.s32 $0x8000;
	s0 =	ssub.s32 s20, s21  }
0xd: {  	s24 =	sadd.s32 s1, s4;
	s25 =	sor.u32 $0x2000, s4;
	s4 =	sadd.s32 s2, s4  }
0xe: {  	s14 =	smov.u32 s23;
	s15 =	sor.u32 $0x3, s23;
	s21 =	simm.s32 $0x80  }
.Ltmp0:
0xf: {  	s23 =	simm.s32 $0x10000;
	[dreg:$0x8] =	wrdreg s24;
	(pc) =	sbr.rel .LBB2_1-.Ltmp0, $4  }
0x10: {  	v0 =	vimm.f32 $-9.999990000e+05;
	v1 =	vimm.f32 $0.0e+00;
	[dreg:$0x9] =	wrdreg s4;
	s26 =	sadd.s32 s1, s25;
	s3 =	sadd.s32 s2, s25  }
0x11: {  	v2 =	vlaneseq.u32;
	vm0 =	vmmov $0x1;
	vm2 =	vcmask $0x720;
	s0 =	smax.u32 s0, $0x1;
	s24 =	simm.s32 $0x14000;
	[dreg:$0xa] =	wrdreg s26  }
0x12: {  	vm3 =	vcmask $0xB20;
	vm4 =	vcmask $0xF20;
	vm5 =	vcmask $0x1320;
	s25 =	simm.s32 $0x12000;
	s4 =	simm.s32 $0x0;
	[dreg:$0xb] =	wrdreg s3  }
0x13: {  	vm6 =	vcmask $0x1720;
	vm7 =	vcmask $0x1B20;
	v3 =	vimm.f32 $-3.000000010e+38;
	[dreg:$0xd] =	wrdreg s0;
	s26 =	simm.s32 $0x16000;
	s0 =	simm.s32 $0x4  }
.LBB2_32:
0x14: {  	_ =	swait.ge [sflag:s29], $0x2000  }
0x15: {  	[sflag:s29] =	ssyncset.done $0x0  }
0x16: {  	[sflag:s29] =	ssyncadd.s32 $0xFFFFE000  }
0x17: {  	_ =	swait.ge [sflag:s30], $0x2000  }
0x18: {  	[sflag:s30] =	ssyncset.done $0x0  }
0x19: {  	[sflag:s30] =	ssyncadd.s32 $0xFFFFE000  }
0x1a: {  	_ =	swait.ge [sflag:s31], $0x2000  }
0x1b: {  	[sflag:s31] =	ssyncset.done $0x0  }
0x1c: {  	[sflag:s31] =	ssyncadd.s32 $0xFFFFE000  }
0x1d: {  	_ =	swait.ge [sflag:s0], $0x2000  }
0x1e: {  	s4 =	rddreg [dreg:$0xe]  }
0x1f: {  	s3 =	rddreg [dreg:$0xd];
	s4 =	sadd.s32 $0x1, s4  }
0x20: {  	p0 =	sne.s32 s4, s3  }
.Ltmp1:
0x21: {  	_ = 	snop;
	(pc) =	sbr.rel @!p0 .LBB2_33-.Ltmp1, $3  }
0x22: {  	_ =	sdelay $0x1  }
0x23: {  	[sflag:s0] =	ssyncset.done $0x0  }
0x24: {  	[sflag:s0] =	ssyncadd.s32 $0xFFFFE000  }
.LBB2_1:
0x25: {  	[dreg:$0xe] =	wrdreg s4  }
0x26: {  	s3 =	rddreg [dreg:$0x2];
	s9 =	simm.s32 $0x0  }
0x27: {  	[tilespmem:s9], [sflag:$0x5] =	stream.linear.gather [hbm4b:s3+s9], $0x8000, $0x38;
	[tilespmem:$0x19200] =	vst v63  }
0x28: {  	s10 =	rddreg [dreg:$0x6];
	s5 =	simm.s32 $0x19080  }
0x29: {  	[tilespmem:s5], [sflag:$0x6] =	stream.linear.gather [hbm4b:s10+s9], $0x80, $0x38;
	[tilespmem:$0x19200] =	vst v63  }
0x2a: {  	_ =	swait.ge [sflag:s19], $0x80  }
0x2b: {  	[sflag:s19] =	ssyncset.done $0x0  }
0x2c: {  	[sflag:s19] =	ssyncadd.s32 $0xFFFFFF80  }
0x2d: {  	s12 =	simm.s32 $0x19100;
	s11 =	rddreg [dreg:$0x4]  }
0x2e: {  	[tilespmem:s12], [sflag:$0x6] =	stream.linear.gather [hbm4b:s11+s9], $0x80, $0x38;
	[tilespmem:$0x19200] =	vst v63  }
0x2f: {  	_ =	swait.ge [sflag:s19], $0x80  }
0x30: {  	[sflag:s19] =	ssyncset.done $0x0  }
0x31: {  	[sflag:s19] =	ssyncadd.s32 $0xFFFFFF80  }
0x32: {  	s13 =	rddreg [dreg:$0x8];
	v4 =	vld [tilespmem:$0x19080]  }
0x33: {  	v5 =	vld [tilespmem:$0x19100];
	[tilespmem:s23], [sflag:$0x1] =	stream.strided.gather [hbm4b:s13+s21], $0x2000, s22, s21, $0x38  }
0x34: {  	s17 =	rddreg [dreg:$0x9]  }
0x35: {  	[tilespmem:s24], [sflag:$0x3] =	stream.strided.gather [hbm4b:s17+s21], $0x2000, s22, s21, $0x38;
	[tilespmem:$0x19200] =	vst v63  }
0x36: {  	s18 =	rddreg [dreg:$0xa]  }
0x37: {  	[tilespmem:s25], [sflag:$0x2] =	stream.strided.gather [hbm4b:s18+s21], $0x2000, s22, s21, $0x38;
	[tilespmem:$0x19200] =	vst v63  }
.Ltmp2:
0x38: {  	s28 =	simm.s32 $0x5;
	s20 =	rddreg [dreg:$0xb];
	(pc) =	sbr.rel .LBB2_2-.Ltmp2, $4  }
0x39: {  	[tilespmem:s26], [sflag:$0x4] =	stream.strided.gather [hbm4b:s20+s21], $0x2000, s22, s21, $0x38;
	[tilespmem:$0x19200] =	vst v63  }
0x3a: {  	_ =	swait.ge [sflag:s28], $0x8000  }
0x3b: {  	[sflag:s28] =	ssyncset.done $0x0  }
0x3c: {  	s18 =	simm.s32 $0x0;
	[sflag:s28] =	ssyncadd.s32 $0xFFFF8000  }
.LBB2_31:
0x3d: {  	s3 =	sor.u32 s16, s20;
	s4 =	rddreg [dreg:$0x7];
	s18 =	sadd.s32 $0x1, s18  }
0x3e: {  	s28 =	simm.s32 $0x0;
	s3 =	sshrl.u32 s3, $0x3;
	p0 =	sne.s32 s18, $0x4  }
.Ltmp3:
0x3f: {  	[tilespmem:$0x19180] =	vst v6;
	s5 =	simm.s32 $0x19180;
	s3 =	sadd.s32 s4, s3;
	(pc) =	sbr.rel @!p0 .LBB2_32-.Ltmp3, $4  }
0x40: {  	[hbm4b:s3+s28] =	stream.linear.scatter [tilespmem:s5], [sflag:$0x6], $0x80, $0x38;
	[tilespmem:$0x19200] =	vst v63  }
0x41: {  	_ =	swait.ge [sflag:s19], $0x80  }
0x42: {  	[sflag:s19] =	ssyncset.done $0x0  }
0x43: {  	[sflag:s19] =	ssyncadd.s32 $0xFFFFFF80  }
.LBB2_2:
0x44: {  	_ =	swait.ge [sflag:s29], $0x2000  }
0x45: {  	[sflag:s29] =	ssyncset.done $0x0  }
0x46: {  	[sflag:s29] =	ssyncadd.s32 $0xFFFFE000  }
0x47: {  	_ =	swait.ge [sflag:s30], $0x2000  }
0x48: {  	[sflag:s30] =	ssyncset.done $0x0  }
0x49: {  	s7 =	simm.s32 $0x40;
	[sflag:s30] =	ssyncadd.s32 $0xFFFFE000  }
0x4a: {  	v6 =	vld [tilespmem:s7+$0x30]  }
0x4b: {  	v7 =	vld [tilespmem:s7+$0x20]  }
0x4c: {  	s10 =	simm.s32 $0x10040;
	v8 =	vld [tilespmem:s7+$0x10]  }
0x4d: {  	s11 =	simm.s32 $0x14040;
	v9 =	vld [tilespmem:s10+$0x30]  }
0x4e: {  	v10 =	vld [tilespmem:s11+$0x30]  }
0x4f: {  	v11 =	vld [tilespmem:s7+$0x0]  }
0x50: {  	v12 =	vld [tilespmem:s10+$0x20]  }
0x51: {  	v13 =	vld [tilespmem:s11+$0x20]  }
0x52: {  	v14 =	vld [tilespmem:s7+$0xFFFFFFF0]  }
0x53: {  	v15 =	vld [tilespmem:s10+$0x10]  }
0x54: {  	v16 =	vld [tilespmem:s11+$0x10]  }
0x55: {  	v17 =	vld [tilespmem:s7+$0xFFFFFFE0]  }
0x56: {  	v18 =	vld [tilespmem:s10+$0x0]  }
0x57: {  	v19 =	vld [tilespmem:s11+$0x0]  }
0x58: {  	v20 =	vld [tilespmem:s7+$0xFFFFFFD0]  }
0x59: {  	v21 =	vld [tilespmem:s10+$0xFFFFFFF0]  }
0x5a: {  	v22 =	vld [tilespmem:s11+$0xFFFFFFF0]  }
0x5b: {  	v23 =	vld [tilespmem:s7+$0xFFFFFFC0]  }
0x5c: {  	v24 =	vld [tilespmem:s10+$0xFFFFFFE0]  }
0x5d: {  	v25 =	vld [tilespmem:s11+$0xFFFFFFE0]  }
0x5e: {  	v26 =	vld [tilespmem:s10+$0xFFFFFFD0]  }
0x5f: {  	v27 =	vld [tilespmem:s10+$0xFFFFFFC0]  }
0x60: {  	v28 =	vld [tilespmem:s11+$0xFFFFFFC0]  }
0x61: {  	s12 =	simm.s32 $0xC0;
	v29 =	vld [tilespmem:s11+$0xFFFFFFD0]  }
0x62: {  	v31 =	vld [tilespmem:s12+$0x30]  }
0x63: {  	v30 =	vimm.f32 $-3.000000010e+38;
	v32 =	vld [tilespmem:s12+$0x20]  }
0x64: {  	v34 =	vld [tilespmem:s12+$0x10];
	s10 =	simm.s32 $0x140C0;
	v9 =	vmul.f32 v9, v4;
	vm8 =	vgt.s32 v6, $0x0;
	v6 =	vmul.f32 v10, v5  }
0x65: {  	s7 =	simm.s32 $0x100C0;
	v62 =	vld [tilespmem:s10+$0x20];
	v12 =	vmul.f32 v12, v4;
	vm10 =	vgt.s32 v7, $0x0;
	v33 =	vmul.f32 v13, v5  }
0x66: {  	v63 =	vld [tilespmem:s7+$0x10];
	v13 =	vmul.f32 v15, v4;
	vm9 =	vgt.s32 v8, $0x0;
	v8 =	vmul.f32 v16, v5  }
0x67: {  	v35 =	vld [tilespmem:s10+$0x10];
	v15 =	vmul.f32 v18, v4;
	vm11 =	vgt.s32 v11, $0x0;
	v7 =	vmul.f32 v27, v4  }
0x68: {  	v16 =	vld [tilespmem:s7+$0x30];
	v10 =	vmul.f32 v28, v5;
	vm12 =	vgt.s32 v14, $0x0;
	v14 =	vmul.f32 v26, v4  }
0x69: {  	v11 =	vld [tilespmem:s10+$0x30];
	v18 =	vmul.f32 v29, v5;
	v24 =	vmul.f32 v24, v4;
	vm13 =	vgt.s32 v23, $0x0  }
0x6a: {  	v27 =	vld [tilespmem:s12+$0x0];
	v19 =	vmul.f32 v19, v5;
	v23 =	vsel vm13, $0x0, v0;
	vm13 =	vgt.s32 v20, $0x0  }
0x6b: {  	v26 =	vld [tilespmem:s7+$0x20];
	v7 =	vadd.f32 v10, v7;
	v10 =	vmul.f32 v25, v5;
	v14 =	vadd.f32 v18, v14  }
0x6c: {  	v18 =	vmul.f32 v21, v4;
	v21 =	vmul.f32 v22, v5;
	v19 =	vadd.f32 v19, v15;
	v15 =	vld [tilespmem:s10+$0x0]  }
0x6d: {  	v22 =	vsel vm13, $0x0, v0;
	v8 =	vadd.f32 v8, v13;
	v13 =	vld [tilespmem:s12+$0xFFFFFFD0];
	v12 =	vadd.f32 v33, v12  }
0x6e: {  	vm13 =	vgt.s32 v17, $0x0;
	v6 =	vadd.f32 v6, v9;
	v20 =	vadd.f32 v23, v7;
	v7 =	vld [tilespmem:s12+$0xFFFFFFF0]  }
0x6f: {  	v23 =	vadd.f32 v10, v24;
	v17 =	vadd.f32 v22, v14;
	v10 =	vld [tilespmem:s12+$0xFFFFFFE0];
	v24 =	vsel vm11, $0x0, v0  }
0x70: {  	v22 =	vsel vm10, $0x0, v0;
	v14 =	vsel vm13, $0x0, v0;
	v24 =	vadd.f32 v24, v19;
	v19 =	vld [tilespmem:s7+$0xFFFFFFF0]  }
0x71: {  	s11 =	simm.s32 $0x8040;
	v18 =	vadd.f32 v21, v18;
	v21 =	vsel vm12, $0x0, v0;
	v12 =	vadd.f32 v22, v12;
	v22 =	vld [tilespmem:s10+$0xFFFFFFE0]  }
0x72: {  	vm10 =	vgt.s32 v34, $0x0;
	v23 =	vadd.f32 v14, v23;
	v14 =	vld [tilespmem:s7+$0x0];
	v25 =	vmax.f32 v30, v20;
	[tilespmem:s11+$0xFFFFFFC0] =	vst v20  }
0x73: {  	vm11 =	vgt.s32 v27, $0x0;
	v21 =	vadd.f32 v21, v18;
	v20 =	vld [tilespmem:s10+$0xFFFFFFF0];
	[tilespmem:s11+$0xFFFFFFD0] =	vst v17;
	v18 =	vmax.f32 v25, v17  }
0x74: {  	v25 =	vsel vm9, $0x0, v0;
	v17 =	vsel vm8, $0x0, v0;
	v18 =	vmax.f32 v18, v23;
	[tilespmem:s11+$0xFFFFFFE0] =	vst v23;
	v23 =	vld [tilespmem:s7+$0xFFFFFFE0]  }
0x75: {  	[tilespmem:s11+$0x0] =	vst v24;
	vm8 =	vgt.s32 v31, $0x0;
	v8 =	vadd.f32 v25, v8;
	v25 =	vld [tilespmem:s10+$0xFFFFFFC0];
	v18 =	vmax.f32 v18, v21  }
0x76: {  	vm9 =	vgt.s32 v32, $0x0;
	v17 =	vadd.f32 v17, v6;
	[tilespmem:s11+$0xFFFFFFF0] =	vst v21;
	v21 =	vld [tilespmem:s7+$0xFFFFFFD0];
	v9 =	vmax.f32 v18, v24  }
0x77: {  	v18 =	vld [tilespmem:s12+$0xFFFFFFC0];
	[tilespmem:s11+$0x10] =	vst v8;
	v9 =	vmax.f32 v9, v8;
	v8 =	vmul.f32 v16, v4;
	v16 =	vmul.f32 v63, v4  }
0x78: {  	[tilespmem:s11+$0x20] =	vst v12;
	v24 =	vld [tilespmem:s7+$0xFFFFFFC0];
	v6 =	vmax.f32 v9, v12;
	v9 =	vmul.f32 v11, v5;
	v11 =	vmul.f32 v26, v4  }
0x79: {  	s13 =	simm.s32 $0x140;
	[tilespmem:s11+$0x30] =	vst v17;
	s12 =	simm.s32 $0x8;
	v12 =	vmul.f32 v62, v5;
	v26 =	vld [tilespmem:s10+$0xFFFFFFD0];
	v6 =	vmax.f32 v6, v17;
	v17 =	vmul.f32 v35, v5  }
.LBB2_3:
0x7a: {  	v27 =	vld [tilespmem:s13+$0x30];
	vm13 =	vgt.s32 v7, $0x0;
	v14 =	vmul.f32 v14, v4;
	v15 =	vmul.f32 v15, v5  }
0x7b: {  	vm12 =	vgt.s32 v10, $0x0;
	v10 =	vmul.f32 v19, v4;
	v19 =	vmul.f32 v20, v5;
	v28 =	vld [tilespmem:s13+$0x20]  }
0x7c: {  	vm14 =	vgt.s32 v13, $0x0;
	v7 =	vmul.f32 v23, v4;
	v13 =	vmul.f32 v22, v5;
	s7 =	sadd.s32 $0x80, s7;
	v29 =	vld [tilespmem:s13+$0x10]  }
0x7d: {  	vm15 =	vgt.s32 v18, $0x0;
	s10 =	sadd.s32 $0x80, s10;
	v18 =	vmul.f32 v24, v4;
	v30 =	vld [tilespmem:s7+$0x30];
	v20 =	vmul.f32 v25, v5  }
0x7e: {  	v23 =	vsel vm9, $0x0, v0;
	v21 =	vmul.f32 v21, v4;
	v25 =	vld [tilespmem:s10+$0x30];
	v22 =	vmul.f32 v26, v5  }
0x7f: {  	v24 =	vsel vm10, $0x0, v0;
	v31 =	vld [tilespmem:s13+$0x0];
	v18 =	vadd.f32 v20, v18;
	v20 =	vsel vm11, $0x0, v0  }
0x80: {  	v32 =	vsel vm15, $0x0, v0;
	v26 =	vld [tilespmem:s7+$0x20];
	v21 =	vadd.f32 v22, v21;
	v22 =	vsel vm13, $0x0, v0  }
0x81: {  	v13 =	vadd.f32 v13, v7;
	v33 =	vld [tilespmem:s10+$0x20];
	v18 =	vadd.f32 v32, v18;
	v32 =	vsel vm14, $0x0, v0  }
0x82: {  	s11 =	sadd.s32 $0x80, s11;
	v10 =	vadd.f32 v19, v10;
	v7 =	vld [tilespmem:s13+$0xFFFFFFF0];
	v21 =	vadd.f32 v32, v21;
	v32 =	vsel vm12, $0x0, v0  }
0x83: {  	v14 =	vadd.f32 v15, v14;
	v34 =	vld [tilespmem:s7+$0x10];
	[tilespmem:s11+$0xFFFFFFC0] =	vst v18;
	v6 =	vmax.f32 v6, v18;
	v13 =	vadd.f32 v32, v13  }
0x84: {  	v16 =	vadd.f32 v17, v16;
	v15 =	vadd.f32 v22, v10;
	v32 =	vld [tilespmem:s10+$0x10];
	[tilespmem:s11+$0xFFFFFFD0] =	vst v21;
	v6 =	vmax.f32 v6, v21  }
0x85: {  	v11 =	vadd.f32 v12, v11;
	v10 =	vld [tilespmem:s13+$0xFFFFFFE0];
	[tilespmem:s11+$0xFFFFFFE0] =	vst v13;
	v6 =	vmax.f32 v6, v13;
	v13 =	vadd.f32 v20, v14  }
0x86: {  	v8 =	vadd.f32 v9, v8;
	v12 =	vadd.f32 v24, v16;
	v14 =	vld [tilespmem:s7+$0x0];
	[tilespmem:s11+$0xFFFFFFF0] =	vst v15;
	v6 =	vmax.f32 v6, v15  }
0x87: {  	v9 =	vadd.f32 v23, v11;
	v11 =	vsel vm8, $0x0, v0;
	v15 =	vld [tilespmem:s10+$0x0];
	[tilespmem:s11+$0x0] =	vst v13;
	v6 =	vmax.f32 v6, v13  }
0x88: {  	v8 =	vadd.f32 v11, v8;
	v13 =	vld [tilespmem:s13+$0xFFFFFFD0];
	[tilespmem:s11+$0x10] =	vst v12;
	v6 =	vmax.f32 v6, v12  }
0x89: {  	v19 =	vld [tilespmem:s7+$0xFFFFFFF0];
	[tilespmem:s11+$0x20] =	vst v9;
	v6 =	vmax.f32 v6, v9  }
0x8a: {  	v20 =	vld [tilespmem:s10+$0xFFFFFFF0];
	[tilespmem:s11+$0x30] =	vst v8;
	v6 =	vmax.f32 v6, v8  }
0x8b: {  	s12 =	sadd.s32 $0x8, s12;
	v18 =	vld [tilespmem:s13+$0xFFFFFFC0]  }
0x8c: {  	p0 =	slt.u32 s12, $0x1F8;
	v23 =	vld [tilespmem:s7+$0xFFFFFFE0]  }
.Ltmp4:
0x8d: {  	v22 =	vld [tilespmem:s10+$0xFFFFFFE0];
	(pc) =	sbr.rel @p0 .LBB2_3-.Ltmp4, $4  }
0x8e: {  	vm8 =	vgt.s32 v27, $0x0;
	v21 =	vld [tilespmem:s7+$0xFFFFFFD0]  }
0x8f: {  	vm9 =	vgt.s32 v28, $0x0;
	v9 =	vmul.f32 v25, v5;
	v8 =	vmul.f32 v30, v4;
	v24 =	vld [tilespmem:s7+$0xFFFFFFC0]  }
0x90: {  	vm10 =	vgt.s32 v29, $0x0;
	v11 =	vmul.f32 v26, v4;
	v12 =	vmul.f32 v33, v5;
	v25 =	vld [tilespmem:s10+$0xFFFFFFC0]  }
0x91: {  	vm11 =	vgt.s32 v31, $0x0;
	v16 =	vmul.f32 v34, v4;
	v17 =	vmul.f32 v32, v5;
	s13 =	sadd.s32 $0x80, s13;
	v26 =	vld [tilespmem:s10+$0xFFFFFFD0]  }
0x92: {  	v14 =	vmul.f32 v14, v4  }
0x93: {  	v15 =	vmul.f32 v15, v5;
	v19 =	vmul.f32 v19, v4  }
0x94: {  	v20 =	vmul.f32 v20, v5;
	v23 =	vmul.f32 v23, v4  }
0x95: {  	vm12 =	vgt.s32 v7, $0x0;
	vm13 =	vgt.s32 v10, $0x0;
	v22 =	vmul.f32 v22, v5  }
0x96: {  	vm14 =	vgt.s32 v18, $0x0;
	v7 =	vmul.f32 v24, v4;
	v24 =	vmul.f32 v25, v5  }
0x97: {  	v10 =	vmul.f32 v21, v4;
	v14 =	vadd.f32 v15, v14;
	v21 =	vmul.f32 v26, v5  }
0x98: {  	vm15 =	vgt.s32 v13, $0x0;
	v15 =	vsel vm11, $0x0, v0;
	v7 =	vadd.f32 v24, v7  }
0x99: {  	v13 =	vsel vm14, $0x0, v0;
	v14 =	vadd.f32 v15, v14;
	v10 =	vadd.f32 v21, v10  }
0x9a: {  	s11 =	sadd.s32 $0x80, s11;
	v18 =	vadd.f32 v22, v23;
	v7 =	vadd.f32 v13, v7;
	v13 =	vsel vm15, $0x0, v0  }
0x9b: {  	v19 =	vadd.f32 v20, v19;
	[tilespmem:s11+$0x0] =	vst v14;
	v10 =	vadd.f32 v13, v10;
	v13 =	vsel vm13, $0x0, v0  }
0x9c: {  	v20 =	vsel vm12, $0x0, v0;
	[tilespmem:s11+$0xFFFFFFC0] =	vst v7;
	v13 =	vadd.f32 v13, v18  }
0x9d: {  	v18 =	vadd.f32 v20, v19;
	[tilespmem:s11+$0xFFFFFFD0] =	vst v10  }
0x9e: {  	s7 =	sor.u32 s14, s18;
	v16 =	vadd.f32 v17, v16;
	[tilespmem:s11+$0xFFFFFFE0] =	vst v13  }
0x9f: {  	v11 =	vadd.f32 v12, v11;
	v17 =	vsel vm10, $0x0, v0;
	s10 =	sshll.u32 s7, $0x7;
	[tilespmem:s11+$0xFFFFFFF0] =	vst v18  }
0xa0: {  	v12 =	vsel vm9, $0x0, v0;
	v8 =	vadd.f32 v9, v8;
	s20 =	sand.u32 $0x380, s10;
	v15 =	vadd.f32 v17, v16;
	s3 =	rddreg [dreg:$0xc]  }
0xa1: {  	v9 =	vadd.f32 v12, v11;
	v11 =	vsel vm8, $0x0, v0;
	s10 =	sor.u32 s3, s20  }
0xa2: {  	v8 =	vadd.f32 v11, v8;
	[tilespmem:s11+$0x10] =	vst v15;
	s10 =	sshrl.u32 s10, $0x3  }
0xa3: {  	[tilespmem:s11+$0x20] =	vst v9;
	s12 =	sor.u32 $0x4000, s10  }
0xa4: {  	[tilespmem:s11+$0x30] =	vst v8;
	s8 =	sadd.s32 s1, s12  }
0xa5: {  	[tilespmem:s23], [sflag:$0x1] =	stream.strided.gather [hbm4b:s8+s21], $0x2000, s22, s21, $0x38;
	[tilespmem:$0x19200] =	vst v63  }
0xa6: {  	s9 =	sadd.s32 s2, s12  }
0xa7: {  	[tilespmem:s24], [sflag:$0x3] =	stream.strided.gather [hbm4b:s9+s21], $0x2000, s22, s21, $0x38;
	[tilespmem:$0x19200] =	vst v63  }
0xa8: {  	_ =	swait.ge [sflag:s31], $0x2000  }
0xa9: {  	[sflag:s31] =	ssyncset.done $0x0  }
0xaa: {  	[sflag:s31] =	ssyncadd.s32 $0xFFFFE000  }
0xab: {  	_ =	swait.ge [sflag:s0], $0x2000  }
0xac: {  	[sflag:s0] =	ssyncset.done $0x0  }
0xad: {  	s12 =	simm.s32 $0x2070;
	[sflag:s0] =	ssyncadd.s32 $0xFFFFE000  }
0xae: {  	v11 =	vld [tilespmem:s12+$0x0]  }
0xaf: {  	v12 =	vld [tilespmem:s12+$0xFFFFFFF0]  }
0xb0: {  	s17 =	simm.s32 $0x12040;
	v16 =	vld [tilespmem:s12+$0xFFFFFFE0]  }
0xb1: {  	s13 =	simm.s32 $0x16040;
	v17 =	vld [tilespmem:s17+$0x30]  }
0xb2: {  	v19 =	vld [tilespmem:s13+$0x30]  }
0xb3: {  	v20 =	vld [tilespmem:s12+$0xFFFFFFD0]  }
0xb4: {  	v21 =	vld [tilespmem:s17+$0x20]  }
0xb5: {  	v22 =	vld [tilespmem:s13+$0x20]  }
0xb6: {  	v23 =	vld [tilespmem:s12+$0xFFFFFFC0]  }
0xb7: {  	v24 =	vld [tilespmem:s17+$0x10]  }
0xb8: {  	v25 =	vld [tilespmem:s13+$0x10]  }
0xb9: {  	v26 =	vld [tilespmem:s12+$0xFFFFFFB0]  }
0xba: {  	v27 =	vld [tilespmem:s17+$0x0]  }
0xbb: {  	v28 =	vld [tilespmem:s13+$0x0]  }
0xbc: {  	v29 =	vld [tilespmem:s12+$0xFFFFFFA0]  }
0xbd: {  	v30 =	vld [tilespmem:s17+$0xFFFFFFF0]  }
0xbe: {  	v31 =	vld [tilespmem:s13+$0xFFFFFFF0]  }
0xbf: {  	v6 =	vmax.f32 v6, v7;
	v7 =	vld [tilespmem:s12+$0xFFFFFF90]  }
0xc0: {  	v6 =	vmax.f32 v6, v10;
	v10 =	vld [tilespmem:s17+$0xFFFFFFE0]  }
0xc1: {  	v6 =	vmax.f32 v6, v13;
	v13 =	vld [tilespmem:s13+$0xFFFFFFE0]  }
0xc2: {  	v6 =	vmax.f32 v6, v18;
	v18 =	vld [tilespmem:s17+$0xFFFFFFD0]  }
0xc3: {  	v6 =	vmax.f32 v6, v14;
	v14 =	vld [tilespmem:s17+$0xFFFFFFC0]  }
0xc4: {  	v6 =	vmax.f32 v6, v15;
	v15 =	vld [tilespmem:s13+$0xFFFFFFC0]  }
0xc5: {  	s11 =	simm.s32 $0x120C0;
	v6 =	vmax.f32 v6, v9;
	v9 =	vld [tilespmem:s13+$0xFFFFFFD0]  }
0xc6: {  	v35 =	vld [tilespmem:s11+$0x20]  }
0xc7: {  	v6 =	vmax.f32 v6, v8;
	s17 =	simm.s32 $0x20F0;
	v61 =	vld [tilespmem:s11+$0x10]  }
0xc8: {  	v32 =	vld [tilespmem:s17+$0xFFFFFFF0];
	v8 =	vmul.f32 v17, v4;
	vm8 =	vgt.s32 v11, $0x0;
	v11 =	vmul.f32 v19, v5  }
0xc9: {  	v33 =	vld [tilespmem:s17+$0xFFFFFFE0];
	v19 =	vmul.f32 v21, v4;
	vm10 =	vgt.s32 v12, $0x0;
	v12 =	vmul.f32 v22, v5  }
0xca: {  	s12 =	simm.s32 $0x160C0;
	v34 =	vld [tilespmem:s17+$0xFFFFFFD0];
	v21 =	vmul.f32 v24, v4;
	vm9 =	vgt.s32 v16, $0x0;
	v16 =	vmul.f32 v25, v5  }
0xcb: {  	v36 =	vld [tilespmem:s12+$0x20];
	v22 =	vmul.f32 v27, v4;
	vm11 =	vgt.s32 v20, $0x0;
	v14 =	vmul.f32 v14, v4  }
0xcc: {  	v62 =	vld [tilespmem:s12+$0x10];
	v15 =	vmul.f32 v15, v5;
	vm12 =	vgt.s32 v23, $0x0;
	v18 =	vmul.f32 v18, v4  }
0xcd: {  	v17 =	vld [tilespmem:s17+$0x0];
	v9 =	vmul.f32 v9, v5;
	v10 =	vmul.f32 v10, v4;
	vm13 =	vgt.s32 v7, $0x0  }
0xce: {  	v25 =	vld [tilespmem:s11+$0x30];
	v13 =	vmul.f32 v13, v5;
	v23 =	vmul.f32 v28, v5;
	v24 =	vsel vm10, $0x0, v0  }
0xcf: {  	v27 =	vld [tilespmem:s12+$0x30];
	v7 =	vadd.f32 v15, v14;
	v14 =	vsel vm13, $0x0, v0;
	v9 =	vadd.f32 v9, v18  }
0xd0: {  	v15 =	vmul.f32 v30, v4;
	vm13 =	vgt.s32 v29, $0x0;
	v13 =	vadd.f32 v13, v10;
	v10 =	vld [tilespmem:s17+$0xFFFFFFB0]  }
0xd1: {  	v12 =	vadd.f32 v12, v19;
	v19 =	vld [tilespmem:s11+$0xFFFFFFF0];
	v8 =	vadd.f32 v11, v8;
	v20 =	vsel vm13, $0x0, v0  }
0xd2: {  	vm13 =	vgt.s32 v26, $0x0;
	v18 =	vadd.f32 v14, v7;
	v7 =	vld [tilespmem:s17+$0xFFFFFFC0];
	v14 =	vmul.f32 v31, v5  }
0xd3: {  	v9 =	vadd.f32 v20, v9;
	v20 =	vsel vm13, $0x0, v0;
	v11 =	vadd.f32 v24, v12;
	v24 =	vld [tilespmem:s11+$0xFFFFFFC0]  }
0xd4: {  	vm10 =	vgt.s32 v33, $0x0;
	v63 =	vadd.f32 v20, v13;
	v13 =	vadd.f32 v23, v22;
	v23 =	vld [tilespmem:s11+$0xFFFFFFE0]  }
0xd5: {  	s13 =	simm.s32 $0xA070;
	v16 =	vadd.f32 v16, v21;
	v26 =	vsel vm12, $0x0, v0;
	v15 =	vadd.f32 v14, v15;
	v14 =	vld [tilespmem:s11+$0x0]  }
0xd6: {  	v12 =	vmul.f32 v36, v5;
	v20 =	vsel vm11, $0x0, v0;
	v6 =	vmax.f32 v6, v18;
	[tilespmem:s13+$0xFFFFFF90] =	vst v18;
	v18 =	vld [tilespmem:s17+$0xFFFFFF90]  }
0xd7: {  	[tilespmem:s13+$0xFFFFFFA0] =	vst v9;
	v6 =	vmax.f32 v6, v9;
	v21 =	vadd.f32 v20, v13;
	v13 =	vld [tilespmem:s17+$0xFFFFFFA0];
	v22 =	vadd.f32 v26, v15  }
0xd8: {  	vm11 =	vgt.s32 v34, $0x0;
	[tilespmem:s13+$0xFFFFFFF0] =	vst v11;
	v20 =	vsel vm9, $0x0, v0;
	v15 =	vld [tilespmem:s12+$0x0];
	v6 =	vmax.f32 v6, v63  }
0xd9: {  	v9 =	vsel vm8, $0x0, v0;
	[tilespmem:s13+$0xFFFFFFB0] =	vst v63;
	v16 =	vadd.f32 v20, v16;
	v20 =	vld [tilespmem:s12+$0xFFFFFFF0];
	v6 =	vmax.f32 v6, v22  }
0xda: {  	v26 =	vadd.f32 v9, v8;
	v8 =	vmul.f32 v25, v4;
	v25 =	vld [tilespmem:s12+$0xFFFFFFC0];
	[tilespmem:s13+$0xFFFFFFD0] =	vst v21;
	v6 =	vmax.f32 v6, v21  }
0xdb: {  	vm8 =	vgt.s32 v17, $0x0;
	vm9 =	vgt.s32 v32, $0x0;
	[tilespmem:s13+$0xFFFFFFC0] =	vst v22;
	v22 =	vld [tilespmem:s12+$0xFFFFFFE0];
	v6 =	vmax.f32 v6, v16  }
0xdc: {  	v17 =	vmul.f32 v62, v5;
	v9 =	vmul.f32 v27, v5;
	[tilespmem:s13+$0xFFFFFFE0] =	vst v16;
	v21 =	vld [tilespmem:s11+$0xFFFFFFD0];
	v6 =	vmax.f32 v6, v11  }
0xdd: {  	s28 =	simm.s32 $0x2170;
	s17 =	simm.s32 $0x8;
	[tilespmem:s13+$0x0] =	vst v26;
	v16 =	vmul.f32 v61, v4;
	v11 =	vmul.f32 v35, v4;
	v6 =	vmax.f32 v6, v26;
	v26 =	vld [tilespmem:s12+$0xFFFFFFD0]  }
.LBB2_5:
0xde: {  	v27 =	vld [tilespmem:s28+$0x0];
	vm13 =	vgt.s32 v7, $0x0;
	v14 =	vmul.f32 v14, v4;
	v15 =	vmul.f32 v15, v5  }
0xdf: {  	vm12 =	vgt.s32 v10, $0x0;
	v10 =	vmul.f32 v19, v4;
	v19 =	vmul.f32 v20, v5;
	v28 =	vld [tilespmem:s28+$0xFFFFFFF0]  }
0xe0: {  	vm14 =	vgt.s32 v13, $0x0;
	v7 =	vmul.f32 v23, v4;
	v13 =	vmul.f32 v22, v5;
	s11 =	sadd.s32 $0x80, s11;
	v29 =	vld [tilespmem:s28+$0xFFFFFFE0]  }
0xe1: {  	vm15 =	vgt.s32 v18, $0x0;
	s12 =	sadd.s32 $0x80, s12;
	v18 =	vmul.f32 v24, v4;
	v30 =	vld [tilespmem:s11+$0x30];
	v20 =	vmul.f32 v25, v5  }
0xe2: {  	v23 =	vsel vm9, $0x0, v0;
	v21 =	vmul.f32 v21, v4;
	v25 =	vld [tilespmem:s12+$0x30];
	v22 =	vmul.f32 v26, v5  }
0xe3: {  	v24 =	vsel vm10, $0x0, v0;
	v31 =	vld [tilespmem:s28+$0xFFFFFFD0];
	v18 =	vadd.f32 v20, v18;
	v20 =	vsel vm11, $0x0, v0  }
0xe4: {  	v32 =	vsel vm15, $0x0, v0;
	v26 =	vld [tilespmem:s11+$0x20];
	v21 =	vadd.f32 v22, v21;
	v22 =	vsel vm13, $0x0, v0  }
0xe5: {  	v13 =	vadd.f32 v13, v7;
	v33 =	vld [tilespmem:s12+$0x20];
	v18 =	vadd.f32 v32, v18;
	v32 =	vsel vm14, $0x0, v0  }
0xe6: {  	s13 =	sadd.s32 $0x80, s13;
	v10 =	vadd.f32 v19, v10;
	v7 =	vld [tilespmem:s28+$0xFFFFFFC0];
	v21 =	vadd.f32 v32, v21;
	v32 =	vsel vm12, $0x0, v0  }
0xe7: {  	v14 =	vadd.f32 v15, v14;
	v34 =	vld [tilespmem:s11+$0x10];
	[tilespmem:s13+$0xFFFFFF90] =	vst v18;
	v6 =	vmax.f32 v6, v18;
	v13 =	vadd.f32 v32, v13  }
0xe8: {  	v16 =	vadd.f32 v17, v16;
	v15 =	vadd.f32 v22, v10;
	v32 =	vld [tilespmem:s12+$0x10];
	[tilespmem:s13+$0xFFFFFFA0] =	vst v21;
	v6 =	vmax.f32 v6, v21  }
0xe9: {  	v11 =	vadd.f32 v12, v11;
	v10 =	vld [tilespmem:s28+$0xFFFFFFB0];
	[tilespmem:s13+$0xFFFFFFB0] =	vst v13;
	v6 =	vmax.f32 v6, v13;
	v13 =	vadd.f32 v20, v14  }
0xea: {  	v8 =	vadd.f32 v9, v8;
	v12 =	vadd.f32 v24, v16;
	v14 =	vld [tilespmem:s11+$0x0];
	[tilespmem:s13+$0xFFFFFFC0] =	vst v15;
	v6 =	vmax.f32 v6, v15  }
0xeb: {  	v9 =	vadd.f32 v23, v11;
	v11 =	vsel vm8, $0x0, v0;
	v15 =	vld [tilespmem:s12+$0x0];
	[tilespmem:s13+$0xFFFFFFD0] =	vst v13;
	v6 =	vmax.f32 v6, v13  }
0xec: {  	v8 =	vadd.f32 v11, v8;
	v13 =	vld [tilespmem:s28+$0xFFFFFFA0];
	[tilespmem:s13+$0xFFFFFFE0] =	vst v12;
	v6 =	vmax.f32 v6, v12  }
0xed: {  	v19 =	vld [tilespmem:s11+$0xFFFFFFF0];
	[tilespmem:s13+$0xFFFFFFF0] =	vst v9;
	v6 =	vmax.f32 v6, v9  }
0xee: {  	v20 =	vld [tilespmem:s12+$0xFFFFFFF0];
	[tilespmem:s13+$0x0] =	vst v8;
	v6 =	vmax.f32 v6, v8  }
0xef: {  	s17 =	sadd.s32 $0x8, s17;
	v18 =	vld [tilespmem:s28+$0xFFFFFF90]  }
0xf0: {  	p0 =	slt.u32 s17, $0x1F8;
	v23 =	vld [tilespmem:s11+$0xFFFFFFE0]  }
.Ltmp5:
0xf1: {  	v22 =	vld [tilespmem:s12+$0xFFFFFFE0];
	(pc) =	sbr.rel @p0 .LBB2_5-.Ltmp5, $4  }
0xf2: {  	vm8 =	vgt.s32 v27, $0x0;
	v21 =	vld [tilespmem:s11+$0xFFFFFFD0]  }
0xf3: {  	vm9 =	vgt.s32 v28, $0x0;
	v9 =	vmul.f32 v25, v5;
	v8 =	vmul.f32 v30, v4;
	v24 =	vld [tilespmem:s11+$0xFFFFFFC0]  }
0xf4: {  	vm10 =	vgt.s32 v29, $0x0;
	v11 =	vmul.f32 v26, v4;
	v12 =	vmul.f32 v33, v5;
	v25 =	vld [tilespmem:s12+$0xFFFFFFC0]  }
0xf5: {  	vm11 =	vgt.s32 v31, $0x0;
	v16 =	vmul.f32 v34, v4;
	v17 =	vmul.f32 v32, v5;
	s28 =	sadd.s32 $0x80, s28;
	v26 =	vld [tilespmem:s12+$0xFFFFFFD0]  }
0xf6: {  	v14 =	vmul.f32 v14, v4  }
0xf7: {  	v15 =	vmul.f32 v15, v5;
	v19 =	vmul.f32 v19, v4  }
0xf8: {  	v20 =	vmul.f32 v20, v5;
	v23 =	vmul.f32 v23, v4  }
0xf9: {  	vm12 =	vgt.s32 v7, $0x0;
	vm13 =	vgt.s32 v10, $0x0;
	v22 =	vmul.f32 v22, v5  }
0xfa: {  	vm14 =	vgt.s32 v18, $0x0;
	v7 =	vmul.f32 v24, v4;
	v24 =	vmul.f32 v25, v5  }
0xfb: {  	v8 =	vadd.f32 v9, v8;
	v10 =	vmul.f32 v21, v4;
	v21 =	vmul.f32 v26, v5  }
0xfc: {  	vm15 =	vgt.s32 v13, $0x0;
	v9 =	vsel vm8, $0x0, v0;
	v7 =	vadd.f32 v24, v7  }
0xfd: {  	v13 =	vsel vm14, $0x0, v0;
	v8 =	vadd.f32 v9, v8;
	v10 =	vadd.f32 v21, v10  }
0xfe: {  	s11 =	sadd.s32 $0x80, s13;
	v18 =	vadd.f32 v22, v23;
	v7 =	vadd.f32 v13, v7;
	v13 =	vsel vm15, $0x0, v0  }
0xff: {  	[tilespmem:s11+$0x0] =	vst v8;
	v21 =	vadd.f32 v13, v10;
	v10 =	vsel vm13, $0x0, v0;
	v13 =	vadd.f32 v20, v19  }
0x100: {  	v19 =	vsel vm12, $0x0, v0;
	[tilespmem:s11+$0xFFFFFF90] =	vst v7;
	v20 =	vadd.f32 v10, v18;
	v10 =	vadd.f32 v15, v14  }
0x101: {  	v14 =	vsel vm11, $0x0, v0;
	[tilespmem:s11+$0xFFFFFFA0] =	vst v21;
	v19 =	vadd.f32 v19, v13;
	v13 =	vadd.f32 v17, v16  }
0x102: {  	v15 =	vsel vm10, $0x0, v0;
	[tilespmem:s11+$0xFFFFFFB0] =	vst v20;
	v22 =	vadd.f32 v14, v10;
	v10 =	vadd.f32 v12, v11  }
0x103: {  	v11 =	vsel vm9, $0x0, v0;
	[tilespmem:s11+$0xFFFFFFC0] =	vst v19;
	v12 =	vadd.f32 v15, v13  }
0x104: {  	[tilespmem:s11+$0xFFFFFFD0] =	vst v22;
	v11 =	vadd.f32 v11, v10  }
0x105: {  	s10 =	sor.u32 $0x6000, s10;
	[tilespmem:s11+$0xFFFFFFE0] =	vst v12  }
0x106: {  	s28 =	sadd.s32 s1, s10;
	[tilespmem:s11+$0xFFFFFFF0] =	vst v11  }
0x107: {  	[tilespmem:s25], [sflag:$0x2] =	stream.strided.gather [hbm4b:s28+s21], $0x2000, s22, s21, $0x38;
	[tilespmem:$0x19200] =	vst v63  }
0x108: {  	s10 =	sadd.s32 s2, s10  }
0x109: {  	[tilespmem:s26], [sflag:$0x4] =	stream.strided.gather [hbm4b:s10+s21], $0x2000, s22, s21, $0x38;
	[tilespmem:$0x19200] =	vst v63  }
0x10a: {  	_ =	swait.ge [sflag:s29], $0x2000  }
0x10b: {  	[sflag:s29] =	ssyncset.done $0x0  }
0x10c: {  	[sflag:s29] =	ssyncadd.s32 $0xFFFFE000  }
0x10d: {  	_ =	swait.ge [sflag:s30], $0x2000  }
0x10e: {  	[sflag:s30] =	ssyncset.done $0x0  }
0x10f: {  	s10 =	simm.s32 $0x0;
	[sflag:s30] =	ssyncadd.s32 $0xFFFFE000  }
0x110: {  	v25 =	vld [tilespmem:s10+$0x4070]  }
0x111: {  	v26 =	vld [tilespmem:s10+$0x4060]  }
0x112: {  	v27 =	vld [tilespmem:s10+$0x4050]  }
0x113: {  	v28 =	vld [tilespmem:s10+$0x10070]  }
0x114: {  	v29 =	vld [tilespmem:s10+$0x14070]  }
0x115: {  	v9 =	vld [tilespmem:s10+$0x4040]  }
0x116: {  	v30 =	vld [tilespmem:s10+$0x10060]  }
0x117: {  	v31 =	vld [tilespmem:s10+$0x14060]  }
0x118: {  	v10 =	vld [tilespmem:s10+$0x4030]  }
0x119: {  	v14 =	vld [tilespmem:s10+$0x10050]  }
0x11a: {  	v15 =	vld [tilespmem:s10+$0x14050]  }
0x11b: {  	v13 =	vld [tilespmem:s10+$0x4020]  }
0x11c: {  	v17 =	vld [tilespmem:s10+$0x10040]  }
0x11d: {  	v6 =	vmax.f32 v6, v7;
	v18 =	vld [tilespmem:s10+$0x14040]  }
0x11e: {  	v6 =	vmax.f32 v6, v21;
	v16 =	vld [tilespmem:s10+$0x4010]  }
0x11f: {  	v6 =	vmax.f32 v6, v20;
	v20 =	vld [tilespmem:s10+$0x10030]  }
0x120: {  	v6 =	vmax.f32 v6, v19;
	v21 =	vld [tilespmem:s10+$0x14030]  }
0x121: {  	v6 =	vmax.f32 v6, v22;
	v19 =	vld [tilespmem:s10+$0x4000]  }
0x122: {  	v6 =	vmax.f32 v6, v12;
	v24 =	vld [tilespmem:s10+$0x10020]  }
0x123: {  	v6 =	vmax.f32 v6, v11;
	v23 =	vld [tilespmem:s10+$0x14020]  }
0x124: {  	v6 =	vmax.f32 v6, v8;
	v22 =	vld [tilespmem:s10+$0x10010];
	vm8 =	vgt.s32 v25, $0x0  }
0x125: {  	v25 =	vld [tilespmem:s10+$0x10000];
	vm9 =	vgt.s32 v26, $0x0;
	v7 =	vmul.f32 v28, v4;
	v8 =	vmul.f32 v29, v5  }
0x126: {  	s12 =	simm.s32 $0x200;
	s11 =	simm.s32 $0x0;
	v26 =	vld [tilespmem:s10+$0x14000];
	vm10 =	vgt.s32 v27, $0x0;
	v11 =	vmul.f32 v30, v4;
	v12 =	vmul.f32 v31, v5  }
.LBB2_7:
0x127: {  	s13 =	sshra.s32 s12, $0x2;
	v27 =	vld [tilespmem:s10+$0x14010];
	vm12 =	vgt.s32 v9, $0x0;
	v28 =	vmul.f32 v14, v4;
	v29 =	vmul.f32 v15, v5  }
0x128: {  	vm13 =	vgt.s32 v10, $0x0;
	v15 =	vmul.f32 v17, v4;
	v17 =	vmul.f32 v18, v5;
	v30 =	vld [tilespmem:s13+$0x4070]  }
0x129: {  	vm11 =	vgt.s32 v13, $0x0;
	v13 =	vmul.f32 v20, v4;
	v14 =	vmul.f32 v21, v5;
	v31 =	vld [tilespmem:s13+$0x4060]  }
0x12a: {  	vm14 =	vgt.s32 v16, $0x0;
	v10 =	vmul.f32 v24, v4;
	v16 =	vmul.f32 v23, v5;
	v32 =	vld [tilespmem:s13+$0x4050]  }
0x12b: {  	vm15 =	vgt.s32 v19, $0x0;
	v18 =	vmul.f32 v25, v4;
	v33 =	vld [tilespmem:s13+$0x10070];
	v19 =	vmul.f32 v26, v5  }
0x12c: {  	v20 =	vmul.f32 v22, v4;
	v22 =	vsel vm9, $0x0, v0;
	v26 =	vld [tilespmem:s13+$0x14070];
	v21 =	vmul.f32 v27, v5  }
0x12d: {  	v23 =	vsel vm10, $0x0, v0;
	v9 =	vld [tilespmem:s13+$0x4040];
	v18 =	vadd.f32 v19, v18;
	v19 =	vsel vm12, $0x0, v0  }
0x12e: {  	v24 =	vsel vm15, $0x0, v0;
	v27 =	vld [tilespmem:s13+$0x10060];
	v20 =	vadd.f32 v21, v20;
	v21 =	vsel vm13, $0x0, v0  }
0x12f: {  	v16 =	vadd.f32 v16, v10;
	v34 =	vld [tilespmem:s13+$0x14060];
	v18 =	vadd.f32 v24, v18;
	v24 =	vsel vm14, $0x0, v0  }
0x130: {  	v13 =	vadd.f32 v14, v13;
	v10 =	vld [tilespmem:s13+$0x4030];
	v20 =	vadd.f32 v24, v20;
	v24 =	vsel vm11, $0x0, v0  }
0x131: {  	v17 =	vadd.f32 v17, v15;
	v14 =	vld [tilespmem:s13+$0x10050];
	[tilespmem:s10+$0xC000] =	vst v18;
	v6 =	vmax.f32 v6, v18;
	v16 =	vadd.f32 v24, v16  }
0x132: {  	v18 =	vadd.f32 v21, v13;
	v15 =	vld [tilespmem:s13+$0x14050];
	[tilespmem:s10+$0xC010] =	vst v20;
	v6 =	vmax.f32 v6, v20;
	v20 =	vadd.f32 v29, v28  }
0x133: {  	v11 =	vadd.f32 v12, v11;
	v13 =	vld [tilespmem:s13+$0x4020];
	[tilespmem:s10+$0xC020] =	vst v16;
	v6 =	vmax.f32 v6, v16;
	v16 =	vadd.f32 v19, v17  }
0x134: {  	v7 =	vadd.f32 v8, v7;
	v17 =	vld [tilespmem:s13+$0x10040];
	[tilespmem:s10+$0xC030] =	vst v18;
	v6 =	vmax.f32 v6, v18;
	v12 =	vadd.f32 v23, v20  }
0x135: {  	v8 =	vadd.f32 v22, v11;
	v11 =	vsel vm8, $0x0, v0;
	v18 =	vld [tilespmem:s13+$0x14040];
	[tilespmem:s10+$0xC040] =	vst v16;
	v6 =	vmax.f32 v6, v16  }
0x136: {  	v7 =	vadd.f32 v11, v7;
	v16 =	vld [tilespmem:s13+$0x4010];
	[tilespmem:s10+$0xC050] =	vst v12;
	v6 =	vmax.f32 v6, v12  }
0x137: {  	v20 =	vld [tilespmem:s13+$0x10030];
	[tilespmem:s10+$0xC060] =	vst v8;
	v6 =	vmax.f32 v6, v8  }
0x138: {  	s11 =	sadd.s32 $0x8, s11;
	v21 =	vld [tilespmem:s13+$0x14030];
	[tilespmem:s10+$0xC070] =	vst v7;
	v6 =	vmax.f32 v6, v7;
	s10 =	smov.u32 s13  }
0x139: {  	p0 =	slt.u32 s11, $0x1F8;
	v19 =	vld [tilespmem:s10+$0x4000]  }
.Ltmp6:
0x13a: {  	v24 =	vld [tilespmem:s10+$0x10020];
	(pc) =	sbr.rel @p0 .LBB2_7-.Ltmp6, $4  }
0x13b: {  	v23 =	vld [tilespmem:s10+$0x14020]  }
0x13c: {  	vm8 =	vgt.s32 v30, $0x0;
	v22 =	vld [tilespmem:s10+$0x10010]  }
0x13d: {  	vm9 =	vgt.s32 v31, $0x0;
	v8 =	vmul.f32 v26, v5;
	v7 =	vmul.f32 v33, v4;
	v25 =	vld [tilespmem:s10+$0x10000]  }
0x13e: {  	s12 =	sadd.s32 $0x200, s12;
	vm10 =	vgt.s32 v32, $0x0;
	v11 =	vmul.f32 v27, v4;
	v12 =	vmul.f32 v34, v5;
	v26 =	vld [tilespmem:s10+$0x14000]  }
0x13f: {  	v14 =	vmul.f32 v14, v4  }
0x140: {  	v27 =	vld [tilespmem:s10+$0x14010];
	v15 =	vmul.f32 v15, v5;
	v17 =	vmul.f32 v17, v4  }
0x141: {  	v18 =	vmul.f32 v18, v5;
	v20 =	vmul.f32 v20, v4  }
0x142: {  	vm11 =	vgt.s32 v9, $0x0;
	v9 =	vmul.f32 v21, v5;
	v21 =	vmul.f32 v24, v4  }
0x143: {  	vm12 =	vgt.s32 v10, $0x0;
	vm13 =	vgt.s32 v13, $0x0;
	vm14 =	vgt.s32 v19, $0x0  }
0x144: {  	vm15 =	vgt.s32 v16, $0x0;
	v10 =	vmul.f32 v25, v4;
	v24 =	vmul.f32 v26, v5  }
0x145: {  	v7 =	vadd.f32 v8, v7;
	v13 =	vmul.f32 v22, v4;
	v22 =	vmul.f32 v27, v5  }
0x146: {  	v8 =	vsel vm8, $0x0, v0;
	v23 =	vmul.f32 v23, v5;
	v10 =	vadd.f32 v24, v10  }
0x147: {  	v16 =	vsel vm14, $0x0, v0;
	v7 =	vadd.f32 v8, v7;
	v13 =	vadd.f32 v22, v13  }
0x148: {  	v19 =	vadd.f32 v16, v10;
	v10 =	vsel vm15, $0x0, v0;
	v16 =	vadd.f32 v23, v21  }
0x149: {  	v9 =	vadd.f32 v9, v20;
	[tilespmem:s10+$0xC070] =	vst v7;
	v21 =	vadd.f32 v10, v13;
	v10 =	vsel vm13, $0x0, v0  }
0x14a: {  	s7 =	sadd.s32 $0x1, s7;
	v13 =	vsel vm12, $0x0, v0;
	[tilespmem:s10+$0xC000] =	vst v19;
	v20 =	vadd.f32 v10, v16;
	v10 =	vadd.f32 v18, v17  }
0x14b: {  	s11 =	smov.u32 s15;
	p0 =	slt.s32 s7, s15;
	v16 =	vsel vm11, $0x0, v0;
	v9 =	vadd.f32 v13, v9;
	v13 =	vadd.f32 v15, v14;
	[tilespmem:s10+$0xC010] =	vst v21  }
0x14c: {  	s11 =	smov.u32 @p0 s7;
	v14 =	vsel vm10, $0x0, v0;
	[tilespmem:s10+$0xC020] =	vst v20;
	v23 =	vadd.f32 v16, v10;
	v10 =	vadd.f32 v12, v11  }
0x14d: {  	s7 =	sshll.u32 s11, $0xC;
	s11 =	sshll.u32 s11, $0x4;
	v11 =	vsel vm9, $0x0, v0;
	[tilespmem:s10+$0xC030] =	vst v9;
	v12 =	vadd.f32 v14, v13  }
0x14e: {  	s7 =	sand.u32 $0xFFF8000, s7;
	s11 =	sand.u32 $0x70, s11;
	[tilespmem:s10+$0xC040] =	vst v23;
	v11 =	vadd.f32 v11, v10  }
0x14f: {  	s7 =	sor.u32 s11, s7;
	[tilespmem:s10+$0xC050] =	vst v12  }
0x150: {  	s17 =	sadd.s32 s1, s7;
	[tilespmem:s10+$0xC060] =	vst v11  }
0x151: {  	[tilespmem:s23], [sflag:$0x1] =	stream.strided.gather [hbm4b:s17+s21], $0x2000, s22, s21, $0x38;
	[tilespmem:$0x19200] =	vst v63  }
0x152: {  	s28 =	sadd.s32 s2, s7  }
0x153: {  	[tilespmem:s24], [sflag:$0x3] =	stream.strided.gather [hbm4b:s28+s21], $0x2000, s22, s21, $0x38;
	[tilespmem:$0x19200] =	vst v63  }
0x154: {  	_ =	swait.ge [sflag:s31], $0x2000  }
0x155: {  	[sflag:s31] =	ssyncset.done $0x0  }
0x156: {  	[sflag:s31] =	ssyncadd.s32 $0xFFFFE000  }
0x157: {  	_ =	swait.ge [sflag:s0], $0x2000  }
0x158: {  	[sflag:s0] =	ssyncset.done $0x0  }
0x159: {  	s10 =	simm.s32 $0x0;
	[sflag:s0] =	ssyncadd.s32 $0xFFFFE000  }
0x15a: {  	v25 =	vld [tilespmem:s10+$0x6070]  }
0x15b: {  	v26 =	vld [tilespmem:s10+$0x6060]  }
0x15c: {  	v27 =	vld [tilespmem:s10+$0x6050]  }
0x15d: {  	v28 =	vld [tilespmem:s10+$0x12070]  }
0x15e: {  	v29 =	vld [tilespmem:s10+$0x16070]  }
0x15f: {  	v8 =	vld [tilespmem:s10+$0x6040]  }
0x160: {  	v30 =	vld [tilespmem:s10+$0x12060]  }
0x161: {  	v31 =	vld [tilespmem:s10+$0x16060]  }
0x162: {  	v10 =	vld [tilespmem:s10+$0x6030]  }
0x163: {  	v13 =	vld [tilespmem:s10+$0x12050]  }
0x164: {  	v15 =	vld [tilespmem:s10+$0x16050]  }
0x165: {  	v14 =	vld [tilespmem:s10+$0x6020]  }
0x166: {  	v16 =	vld [tilespmem:s10+$0x12040]  }
0x167: {  	v6 =	vmax.f32 v6, v19;
	v18 =	vld [tilespmem:s10+$0x16040]  }
0x168: {  	v6 =	vmax.f32 v6, v21;
	v17 =	vld [tilespmem:s10+$0x6010]  }
0x169: {  	v6 =	vmax.f32 v6, v20;
	v20 =	vld [tilespmem:s10+$0x12030]  }
0x16a: {  	v6 =	vmax.f32 v6, v9;
	v22 =	vld [tilespmem:s10+$0x16030]  }
0x16b: {  	v6 =	vmax.f32 v6, v23;
	v19 =	vld [tilespmem:s10+$0x6000]  }
0x16c: {  	v6 =	vmax.f32 v6, v12;
	v23 =	vld [tilespmem:s10+$0x12020]  }
0x16d: {  	v6 =	vmax.f32 v6, v11;
	v24 =	vld [tilespmem:s10+$0x16020]  }
0x16e: {  	v9 =	vmax.f32 v6, v7;
	v21 =	vld [tilespmem:s10+$0x12010];
	vm8 =	vgt.s32 v25, $0x0  }
0x16f: {  	v25 =	vld [tilespmem:s10+$0x12000];
	vm9 =	vgt.s32 v26, $0x0;
	v6 =	vmul.f32 v28, v4;
	v7 =	vmul.f32 v29, v5  }
0x170: {  	s12 =	simm.s32 $0x200;
	s11 =	simm.s32 $0x0;
	v26 =	vld [tilespmem:s10+$0x16000];
	vm10 =	vgt.s32 v27, $0x0;
	v11 =	vmul.f32 v30, v4;
	v12 =	vmul.f32 v31, v5  }
.LBB2_9:
0x171: {  	s13 =	sshra.s32 s12, $0x2;
	v27 =	vld [tilespmem:s10+$0x16010];
	vm12 =	vgt.s32 v8, $0x0;
	v28 =	vmul.f32 v13, v4;
	v29 =	vmul.f32 v15, v5  }
0x172: {  	vm13 =	vgt.s32 v10, $0x0;
	v15 =	vmul.f32 v16, v4;
	v16 =	vmul.f32 v18, v5;
	v30 =	vld [tilespmem:s13+$0x6070]  }
0x173: {  	vm11 =	vgt.s32 v14, $0x0;
	v13 =	vmul.f32 v20, v4;
	v14 =	vmul.f32 v22, v5;
	v31 =	vld [tilespmem:s13+$0x6060]  }
0x174: {  	vm14 =	vgt.s32 v17, $0x0;
	v10 =	vmul.f32 v23, v4;
	v17 =	vmul.f32 v24, v5;
	v32 =	vld [tilespmem:s13+$0x6050]  }
0x175: {  	vm15 =	vgt.s32 v19, $0x0;
	v18 =	vmul.f32 v25, v4;
	v33 =	vld [tilespmem:s13+$0x12070];
	v19 =	vmul.f32 v26, v5  }
0x176: {  	v22 =	vsel vm9, $0x0, v0;
	v20 =	vmul.f32 v21, v4;
	v26 =	vld [tilespmem:s13+$0x16070];
	v21 =	vmul.f32 v27, v5  }
0x177: {  	v23 =	vsel vm10, $0x0, v0;
	v8 =	vld [tilespmem:s13+$0x6040];
	v18 =	vadd.f32 v19, v18;
	v19 =	vsel vm12, $0x0, v0  }
0x178: {  	v24 =	vsel vm15, $0x0, v0;
	v27 =	vld [tilespmem:s13+$0x12060];
	v20 =	vadd.f32 v21, v20;
	v21 =	vsel vm13, $0x0, v0  }
0x179: {  	v17 =	vadd.f32 v17, v10;
	v34 =	vld [tilespmem:s13+$0x16060];
	v18 =	vadd.f32 v24, v18;
	v24 =	vsel vm14, $0x0, v0  }
0x17a: {  	v14 =	vadd.f32 v14, v13;
	v10 =	vld [tilespmem:s13+$0x6030];
	v20 =	vadd.f32 v24, v20;
	v24 =	vsel vm11, $0x0, v0  }
0x17b: {  	v16 =	vadd.f32 v16, v15;
	v13 =	vld [tilespmem:s13+$0x12050];
	[tilespmem:s10+$0xE000] =	vst v18;
	v9 =	vmax.f32 v9, v18;
	v17 =	vadd.f32 v24, v17  }
0x17c: {  	v18 =	vadd.f32 v21, v14;
	v15 =	vld [tilespmem:s13+$0x16050];
	[tilespmem:s10+$0xE010] =	vst v20;
	v9 =	vmax.f32 v9, v20;
	v20 =	vadd.f32 v29, v28  }
0x17d: {  	v11 =	vadd.f32 v12, v11;
	v14 =	vld [tilespmem:s13+$0x6020];
	[tilespmem:s10+$0xE020] =	vst v17;
	v9 =	vmax.f32 v9, v17;
	v17 =	vadd.f32 v19, v16  }
0x17e: {  	v6 =	vadd.f32 v7, v6;
	v16 =	vld [tilespmem:s13+$0x12040];
	[tilespmem:s10+$0xE030] =	vst v18;
	v9 =	vmax.f32 v9, v18;
	v12 =	vadd.f32 v23, v20  }
0x17f: {  	v18 =	vld [tilespmem:s13+$0x16040];
	[tilespmem:s10+$0xE040] =	vst v17;
	v7 =	vmax.f32 v9, v17;
	v9 =	vadd.f32 v22, v11;
	v11 =	vsel vm8, $0x0, v0  }
0x180: {  	v17 =	vld [tilespmem:s13+$0x6010];
	[tilespmem:s10+$0xE050] =	vst v12;
	v7 =	vmax.f32 v7, v12;
	v6 =	vadd.f32 v11, v6  }
0x181: {  	v20 =	vld [tilespmem:s13+$0x12030];
	[tilespmem:s10+$0xE060] =	vst v9;
	v7 =	vmax.f32 v7, v9  }
0x182: {  	s11 =	sadd.s32 $0x8, s11;
	v22 =	vld [tilespmem:s13+$0x16030];
	[tilespmem:s10+$0xE070] =	vst v6;
	v9 =	vmax.f32 v7, v6;
	s10 =	smov.u32 s13  }
0x183: {  	p0 =	slt.u32 s11, $0x1F8;
	v19 =	vld [tilespmem:s10+$0x6000]  }
.Ltmp7:
0x184: {  	v23 =	vld [tilespmem:s10+$0x12020];
	(pc) =	sbr.rel @p0 .LBB2_9-.Ltmp7, $4  }
0x185: {  	v24 =	vld [tilespmem:s10+$0x16020]  }
0x186: {  	vm8 =	vgt.s32 v30, $0x0;
	v21 =	vld [tilespmem:s10+$0x12010]  }
0x187: {  	vm9 =	vgt.s32 v31, $0x0;
	v6 =	vmul.f32 v33, v4;
	v7 =	vmul.f32 v26, v5;
	v25 =	vld [tilespmem:s10+$0x12000]  }
0x188: {  	s12 =	sadd.s32 $0x200, s12;
	vm10 =	vgt.s32 v32, $0x0;
	v11 =	vmul.f32 v27, v4;
	v12 =	vmul.f32 v34, v5;
	v26 =	vld [tilespmem:s10+$0x16000]  }
0x189: {  	v27 =	vld [tilespmem:s10+$0x16010];
	vm11 =	vgt.s32 v8, $0x0;
	v8 =	vmul.f32 v13, v4;
	v39 =	vmul.f32 v15, v5  }
0x18a: {  	vm12 =	vgt.s32 v10, $0x0;
	v40 =	vmul.f32 v16, v4;
	v41 =	vmul.f32 v18, v5  }
0x18b: {  	vm13 =	vgt.s32 v14, $0x0;
	v42 =	vmul.f32 v20, v4;
	v43 =	vmul.f32 v22, v5  }
0x18c: {  	vm14 =	vgt.s32 v17, $0x0;
	v44 =	vmul.f32 v23, v4;
	vm15 =	vgt.s32 v19, $0x0  }
0x18d: {  	v49 =	vsel vm9, $0x0, v0;
	v46 =	vmul.f32 v25, v4;
	v47 =	vmul.f32 v26, v5  }
0x18e: {  	v51 =	vsel vm10, $0x0, v0;
	v21 =	vmul.f32 v21, v4;
	v48 =	vmul.f32 v27, v5  }
0x18f: {  	v45 =	vmul.f32 v24, v5;
	v50 =	vsel vm11, $0x0, v0;
	v19 =	vadd.f32 v47, v46  }
0x190: {  	v52 =	vsel vm15, $0x0, v0;
	v53 =	vsel vm12, $0x0, v0;
	v21 =	vadd.f32 v48, v21  }
0x191: {  	v54 =	vsel vm14, $0x0, v0;
	v17 =	vadd.f32 v45, v44;
	v19 =	vadd.f32 v52, v19  }
0x192: {  	v56 =	vsel vm13, $0x0, v0;
	v14 =	vadd.f32 v43, v42;
	v55 =	vadd.f32 v54, v21  }
0x193: {  	v10 =	vadd.f32 v41, v40;
	v57 =	vadd.f32 v56, v17;
	v9 =	vmax.f32 v9, v19  }
0x194: {  	v8 =	vadd.f32 v39, v8;
	v14 =	vadd.f32 v53, v14;
	v9 =	vmax.f32 v9, v55  }
0x195: {  	v11 =	vadd.f32 v12, v11;
	v10 =	vadd.f32 v50, v10;
	v9 =	vmax.f32 v9, v57  }
0x196: {  	v6 =	vadd.f32 v7, v6;
	v8 =	vadd.f32 v51, v8;
	v9 =	vmax.f32 v9, v14  }
0x197: {  	v59 =	vsel vm8, $0x0, v0;
	v58 =	vadd.f32 v49, v11;
	v7 =	vmax.f32 v9, v10  }
0x198: {  	v6 =	vadd.f32 v59, v6;
	v7 =	vmax.f32 v7, v8  }
0x199: {  	v7 =	vmax.f32 v7, v58  }
0x19a: {  	v7 =	vmax.f32 v7, v6  }
0x19b: {  	(xrf0) =	vmax.scan.msk.f32 $0xffff, v7;
	_ =	sdelay $0x5  }
0x19c: {  	v60, _, _ =	vpop (xrf0)  }
0x19d: {  	v11 =	vbroadcast v60, $0xF;
	_ =	sdelay $0x1  }
0x19e: {  	vm8 =	veq.f32 v7, v11  }
0x19f: {  	v7 =	vsel vm8, $0xFF61B1E6, v7  }
0x1a0: {  	(xrf0) =	vmax.scan.msk.f32 $0xffff, v7;
	_ =	sdelay $0x5  }
0x1a1: {  	v61, _, _ =	vpop (xrf0)  }
0x1a2: {  	v11 =	vbroadcast v61, $0xF;
	_ =	sdelay $0x1  }
0x1a3: {  	vm8 =	veq.f32 v7, v11  }
0x1a4: {  	v7 =	vsel vm8, $0xFF61B1E6, v7  }
0x1a5: {  	(xrf0) =	vmax.scan.msk.f32 $0xffff, v7;
	_ =	sdelay $0x5  }
0x1a6: {  	v62, _, _ =	vpop (xrf0)  }
0x1a7: {  	v11 =	vbroadcast v62, $0xF;
	_ =	sdelay $0x1  }
0x1a8: {  	vm8 =	veq.f32 v7, v11  }
0x1a9: {  	v7 =	vsel vm8, $0xFF61B1E6, v7  }
0x1aa: {  	(xrf0) =	vmax.scan.msk.f32 $0xffff, v7;
	_ =	sdelay $0x5  }
0x1ab: {  	v63, _, _ =	vpop (xrf0)  }
0x1ac: {  	[tilespmem:s10+$0xE070] =	vst v6;
	v11 =	vbroadcast v63, $0xF  }
0x1ad: {  	[tilespmem:s10+$0xE060] =	vst v58  }
0x1ae: {  	[tilespmem:s10+$0xE030] =	vst v14;
	vm8 =	veq.f32 v7, v11  }
0x1af: {  	[tilespmem:s10+$0xE040] =	vst v10;
	v7 =	vsel vm8, $0xFF61B1E6, v7  }
0x1b0: {  	[tilespmem:s10+$0xE050] =	vst v8;
	(xrf0) =	vmax.scan.msk.f32 $0xffff, v7  }
0x1b1: {  	[tilespmem:s10+$0xE020] =	vst v57  }
0x1b2: {  	s7 =	sor.u32 $0x2000, s7;
	[tilespmem:s10+$0xE000] =	vst v19  }
.Ltmp8:
0x1b3: {  	s28 =	sadd.s32 s1, s7;
	[tilespmem:s10+$0xE010] =	vst v55;
	(pc) =	sbr.rel .LBB2_11-.Ltmp8, $4  }
0x1b4: {  	[tilespmem:s25], [sflag:$0x2] =	stream.strided.gather [hbm4b:s28+s21], $0x2000, s22, s21, $0x38;
	[tilespmem:$0x19200] =	vst v63  }
0x1b5: {  	s7 =	sadd.s32 s2, s7  }
0x1b6: {  	[tilespmem:s26], [sflag:$0x4] =	stream.strided.gather [hbm4b:s7+s21], $0x2000, s22, s21, $0x38;
	v6, _, _ =	vpop (xrf0);
	[tilespmem:$0x19200] =	vst v63  }
0x1b7: {  	s11 =	simm.s32 $0x8040;
	s10 =	simm.s32 $0x0;
	s7 =	simm.s32 $0x70;
	v6 =	vbroadcast v6, $0xF  }
.LBB2_13:
0x1b8: {  	s7 =	sadd.s32 $0x80, s7  }
0x1b9: {  	p0 =	sne.s32 s7, $0x8070  }
.Ltmp9:
0x1ba: {  	_ = 	snop;
	(pc) =	sbr.rel @!p0 .LBB2_14-.Ltmp9, $2  }
0x1bb: {  	_ =	sdelay $0x2  }
0x1bc: {  	s11 =	sadd.s32 $0x80, s11  }
.LBB2_11:
0x1bd: {  	v7 =	vld [tilespmem:s11+$0xFFFFFFC0]  }
0x1be: {  	v8 =	vld [tilespmem:s11+$0xFFFFFFD0]  }
0x1bf: {  	v9 =	vld [tilespmem:s11+$0xFFFFFFE0]  }
0x1c0: {  	v10 =	vld [tilespmem:s11+$0xFFFFFFF0]  }
0x1c1: {  	v11 =	vld [tilespmem:s11+$0x0]  }
0x1c2: {  	v12 =	vld [tilespmem:s11+$0x10]  }
0x1c3: {  	vm15 =	vge.f32 v7, v6;
	vm14 =	vge.f32 v8, v6;
	v7 =	vld [tilespmem:s11+$0x20]  }
0x1c4: {  	vm13 =	vge.f32 v9, v6;
	v8 =	vld [tilespmem:s11+$0x30];
	vm8 =	vmor vm15, vm14  }
0x1c5: {  	vm12 =	vge.f32 v10, v6;
	vm8 =	vmor vm8, vm13  }
0x1c6: {  	vm11 =	vge.f32 v11, v6;
	vm8 =	vmor vm8, vm12  }
0x1c7: {  	vm10 =	vge.f32 v12, v6;
	vm9 =	vmor vm8, vm11  }
0x1c8: {  	vm8 =	vge.f32 v7, v6;
	vm9 =	vmor vm9, vm10  }
0x1c9: {  	vm1 =	vmor vm9, vm8;
	vm9 =	vge.f32 v8, v6  }
0x1ca: {  	vm1 =	vmor vm1, vm9  }
0x1cb: {  	v7 =	vsel vm1, $0x3F800000, v1  }
0x1cc: {  	(xrf0) =	vmax.scan.msk.f32 $0xffff, v7;
	_ =	sdelay $0x5  }
0x1cd: {  	v7, _, _ =	vpop (xrf0)  }
0x1ce: {  	(v2sf) =	vpush v7, $0xF;
	_ =	sdelay $0xe  }
0x1cf: {  	s12 =	spop (v2sf)  }
0x1d0: {  	p0 =	sgt.f32 s12, $0.0e+00  }
.Ltmp10:
0x1d1: {  	_ = 	snop;
	(pc) =	sbr.rel @!p0 .LBB2_13-.Ltmp10, $1  }
0x1d2: {  	_ =	sdelay $0x3  }
0x1d3: {  	v7 =	vmpcnt.ones.xlane vm15  }
0x1d4: {  	v8 =	vmpcnt.ones.xlane vm14  }
0x1d5: {  	v9 =	vmpcnt.ones.xlane vm13;
	vm1 =	vcmask $0x320;
	v7 =	vnsel vm0, $0x0, v7  }
0x1d6: {  	v7 =	vsel vm1, v7, v8;
	v8 =	vmpcnt.ones.xlane vm12  }
0x1d7: {  	v62 =	vmpcnt.ones.xlane vm11;
	v7 =	vsel vm2, v7, v9  }
0x1d8: {  	v7 =	vsel vm3, v7, v8;
	v8 =	vmpcnt.ones.xlane vm10  }
0x1d9: {  	v63 =	vmpcnt.ones.xlane vm8;
	v7 =	vsel vm4, v7, v62  }
0x1da: {  	v7 =	vsel vm5, v7, v8;
	v8 =	vmpcnt.ones.xlane vm9  }
0x1db: {  	v7 =	vsel vm6, v7, v63  }
0x1dc: {  	v7 =	vsel vm7, v7, v8  }
0x1dd: {  	(xrf0) =	vadd.scan.msk.s32 $0xffff, v7;
	_ =	sdelay $0x5  }
0x1de: {  	v8, _, _ =	vpop (xrf0)  }
0x1df: {  	v7 =	vsub.s32 v8, v7  }
0x1e0: {  	v7 =	vadd.s32 s10, v7  }
0x1e1: {  	(v2sf) =	vpush v7, $0x0;
	_ =	sdelay $0x4  }
0x1e2: {  	(v2sf) =	vpush v7, $0x1  }
0x1e3: {  	(v2sf) =	vpush v7, $0x2  }
0x1e4: {  	(v2sf) =	vpush v7, $0x3  }
0x1e5: {  	(v2sf) =	vpush v7, $0x4;
	_ =	sdelay $0x1  }
0x1e6: {  	(v2sf) =	vpush v7, $0x5  }
0x1e7: {  	(v2sf) =	vpush v7, $0x6;
	_ =	sdelay $0x1  }
0x1e8: {  	(v2sf) =	vpush v7, $0x7;
	_ =	sdelay $0x1  }
0x1e9: {  	s12 =	spop (v2sf);
	(v2sf) =	vpush v8, $0x7;
	_ =	sdelay $0x3  }
0x1ea: {  	s9 =	sadd.s32 $0xFFFFFF90, s7  }
0x1eb: {  	v7 =	vor.u32 s9, v2;
	s9 =	sadd.s32 $0xFFFFFFA0, s7;
	s13 =	spop (v2sf);
	p0 =	slt.s32 s12, $0x1000  }
0x1ec: {  	s17 =	spop (v2sf);
	s12 =	simm.s32 @!p0 $0x1000;
	p0 =	slt.s32 s13, $0x1000  }
0x1ed: {  	v8 =	vor.u32 s9, v2;
	s28 =	spop (v2sf);
	[tilespmem:s12+$0x18000] =	vst.msk vm15, v7;
	s12 =	sadd.s32 $0xFFFFFFB0, s7;
	s13 =	simm.s32 @!p0 $0x1000  }
0x1ee: {  	p0 =	slt.s32 s17, $0x1000;
	s4 =	spop (v2sf);
	[tilespmem:s13+$0x18000] =	vst.msk vm14, v8;
	s13 =	sadd.s32 $0xFFFFFFC0, s7  }
0x1ef: {  	v7 =	vor.u32 s12, v2;
	s17 =	simm.s32 @!p0 $0x1000;
	p0 =	slt.s32 s28, $0x1000;
	s12 =	sadd.s32 $0xFFFFFFD0, s7  }
0x1f0: {  	s3 =	spop (v2sf);
	s28 =	simm.s32 @!p0 $0x1000;
	p0 =	slt.s32 s4, $0x1000  }
0x1f1: {  	v8 =	vor.u32 s13, v2;
	[tilespmem:s17+$0x18000] =	vst.msk vm13, v7;
	s13 =	sadd.s32 $0xFFFFFFE0, s7;
	s17 =	sadd.s32 $0xFFFFFFF0, s7;
	s5 =	spop (v2sf)  }
.Ltmp11:
0x1f2: {  	v7 =	vor.u32 s12, v2;
	[tilespmem:s28+$0x18000] =	vst.msk vm12, v8;
	s4 =	simm.s32 @!p0 $0x1000;
	p0 =	slt.s32 s3, $0x1000;
	(pc) =	sbr.rel .LBB2_13-.Ltmp11, $4  }
0x1f3: {  	v8 =	vor.u32 s13, v2;
	s8 =	spop (v2sf);
	[tilespmem:s4+$0x18000] =	vst.msk vm11, v7;
	s3 =	simm.s32 @!p0 $0x1000;
	p0 =	slt.s32 s5, $0x1000  }
0x1f4: {  	v7 =	vor.u32 s17, v2;
	[tilespmem:s3+$0x18000] =	vst.msk vm10, v8;
	s5 =	simm.s32 @!p0 $0x1000;
	p0 =	slt.s32 s8, $0x1000  }
0x1f5: {  	v8 =	vor.u32 s7, v2;
	[tilespmem:s5+$0x18000] =	vst.msk vm8, v7;
	s8 =	simm.s32 @!p0 $0x1000;
	s28 =	spop (v2sf)  }
0x1f6: {  	[tilespmem:s8+$0x18000] =	vst.msk vm9, v8;
	s10 =	sadd.s32 s10, s28  }
.LBB2_14:
0x1f7: {  	p0 =	sgt.s32 s10, $0x1000  }
.Ltmp12:
0x1f8: {  	_ = 	snop;
	(pc) =	sbr.rel @p0 .LBB2_28-.Ltmp12, $2  }
0x1f9: {  	_ =	sdelay $0x2  }
0x1fa: {  	s7 =	simm.s32 $0x0;
	v6 =	vimm.s32 $0x0;
	s11 =	simm.s32 $0x0  }
0x1fb: {  	s3 =	sadd.s32 $0xF, s10  }
0x1fc: {  	s4 =	sand.u32 $0xF, s3  }
0x1fd: {  	p1 =	slt.s32 s10, $0xFFFFFFF2;
	s28 =	sshra.s32 s3, $0x1F;
	p0 =	sne.s32 s4, $0x0  }
.Ltmp13:
0x1fe: {  	s4 =	sshrl.u32 s28, $0x1C;
	p0 =	por !p1, !p0;
	(pc) =	sbr.rel .LBB2_16-.Ltmp13, $4  }
0x1ff: {  	s3 =	sadd.s32 s4, s3;
	s4 =	simm.s32 $0x1;
	p0 =	por !p0, !p0  }
0x200: {  	s3 =	sshra.s32 s3, $0x4;
	s4 =	simm.s32 @!p0 $0x0  }
0x201: {  	s7 =	ssub.s32 s3, s4  }
0x202: {  	v7 =	vmov s10;
	s10 =	simm.s32 $0x0;
	v6 =	vimm.s32 $0x0;
	s11 =	simm.s32 $0x0;
	p0 =	slt.s32 s7, $0x1  }
.LBB2_28:
0x203: {  	s3 =	simm.s32 $0x8000  }
0x204: {  	v10 =	vld [tilespmem:s3+$0x0];
	_ =	sdelay $0x3  }
0x205: {  	v8 =	vimm.f32 $-3.000000010e+38;
	v7 =	vimm.s32 $0x40000000;
	v9 =	vor.u32 s7, v2  }
0x206: {  	s10 =	simm.s32 $0x10;
	s12 =	simm.s32 $0x8010;
	vm9 =	vlt.s32 v9, v7;
	vm8 =	veq.f32 v10, v8  }
.LBB2_29:
0x207: {  	v11 =	vld [tilespmem:s12+$0x0];
	p0 =	sne.s32 s10, $0x7FF0;
	vm1 =	vgt.f32 v10, v8;
	vm8 =	vmand vm9, vm8;
	s3 =	smov.u32 s10;
	s10 =	sadd.s32 $0x10, s10  }
.Ltmp14:
0x208: {  	vm1 =	vmor vm1, vm8;
	(pc) =	sbr.rel @p0 .LBB2_29-.Ltmp14, $3  }
0x209: {  	v8 =	vsel vm1, v10, v8;
	v7 =	vsel vm1, v9, v7;
	_ =	sdelay $0x1  }
0x20a: {  	v9 =	vor.u32 s3, v2  }
0x20b: {  	s12 =	sadd.s32 $0x10, s12;
	vm9 =	vlt.s32 v9, v7;
	vm8 =	veq.f32 v11, v8;
	v10 =	vmov v11  }
0x20c: {  	vm1 =	vgt.f32 v10, v8;
	vm8 =	vmand vm9, vm8  }
0x20d: {  	vm1 =	vmor vm1, vm8  }
0x20e: {  	v8 =	vsel vm1, v10, v8  }
0x20f: {  	(xrf0) =	vmax.scan.msk.f32 $0xffff, v8;
	_ =	sdelay $0x5  }
0x210: {  	v63, _, _ =	vpop (xrf0)  }
0x211: {  	v10 =	vbroadcast v63, $0xF  }
0x212: {  	v7 =	vsel vm1, v9, v7  }
0x213: {  	v7 =	vxor.u32 $0x80000000, v7;
	vm1 =	veq.f32 v8, v10  }
0x214: {  	v7 =	vnsel vm1, $0xC0000000, v7  }
0x215: {  	(xrf0) =	vmin.scan.msk.u32 $0xffff, v7;
	_ =	sdelay $0x5  }
0x216: {  	v7, _, _ =	vpop (xrf0)  }
0x217: {  	(v2sf) =	vpush v7, $0xF;
	_ =	sdelay $0xe  }
0x218: {  	s3 =	spop (v2sf)  }
0x219: {  	s3 =	sxor.u32 $0x80000000, s3  }
0x21a: {  	v7 =	vmov s3  }
0x21b: {  	vm1 =	vgt.s32 v7, $0x0  }
0x21c: {  	v8 =	vmov s11;
	s11 =	sadd.s32 $0x1, s11;
	v7 =	vnsel vm1, $0x0, v7  }
0x21d: {  	p0 =	sne.s32 s11, $0x5;
	v7 =	vmin.u32 v7, $0x7FFF  }
.Ltmp15:
0x21e: {  	_ = 	snop;
	(pc) =	sbr.rel @p0 .LBB2_28-.Ltmp15, $4  }
.Ltmp16:
0x21f: {  	_ = 	snop;
	(pc) =	sbr.rel @!p0 .LBB2_31-.Ltmp16, $4  }
0x220: {  	_ = 	snop  }
0x221: {  	vm1 =	veq.s32 v8, v2  }
0x222: {  	v6 =	vsel vm1, s3, v6;
	[tilespmem:v7+s6+$0x0] =	vst.idx.msk $0x1, v3  }
0x223: {  	_ = 	snop  }
.LBB2_17:
0x224: {  	v9 =	vimm.s32 $0xC0000000  }
.LBB2_27:
0x225: {  	(xrf0) =	vmax.scan.msk.f32 $0xffff, v8;
	_ =	sdelay $0x5  }
0x226: {  	v10, _, _ =	vpop (xrf0)  }
0x227: {  	v10 =	vbroadcast v10, $0xF;
	_ =	sdelay $0x1  }
0x228: {  	vm1 =	veq.f32 v8, v10  }
0x229: {  	v8 =	vnsel vm1, $0xC0000000, v9  }
0x22a: {  	(xrf0) =	vmin.scan.msk.u32 $0xffff, v8;
	_ =	sdelay $0x5  }
0x22b: {  	v8, _, _ =	vpop (xrf0)  }
0x22c: {  	(v2sf) =	vpush v8, $0xF;
	_ =	sdelay $0xe  }
0x22d: {  	s3 =	spop (v2sf)  }
0x22e: {  	s3 =	sxor.u32 $0x80000000, s3  }
0x22f: {  	v8 =	vmov s3  }
0x230: {  	vm1 =	vgt.s32 v8, $0x0  }
0x231: {  	v63 =	vmov s11;
	s11 =	sadd.s32 $0x1, s11;
	v8 =	vnsel vm1, $0x0, v8  }
0x232: {  	p1 =	seq.s32 s11, $0x5;
	v8 =	vmin.u32 v8, $0x7FFF  }
.Ltmp17:
0x233: {  	_ = 	snop;
	(pc) =	sbr.rel @p1 .LBB2_31-.Ltmp17, $3  }
0x234: {  	_ =	sdelay $0x1  }
0x235: {  	vm1 =	veq.s32 v63, v2  }
0x236: {  	v6 =	vsel vm1, s3, v6;
	[tilespmem:v8+s6+$0x0] =	vst.idx.msk $0x1, v3  }
.LBB2_16:
.Ltmp18:
0x237: {  	(pc) =	sbr.rel @p0 .LBB2_17-.Ltmp18, $2  }
0x238: {  	_ =	sdelay $0x2  }
0x239: {  	v8 =	vimm.f32 $-3.000000010e+38  }
0x23a: {  	p3 =	sne.s32 s7, $0x1  }
.Ltmp19:
0x23b: {  	s3 =	simm.s32 $0x18000;
	(pc) =	sbr.rel @!p3 .LBB2_19-.Ltmp19, $3  }
0x23c: {  	v10 =	vld [tilespmem:s3+$0x0];
	_ =	sdelay $0x1  }
0x23d: {  	s12 =	sadd.s32 $0xFFFFFFFF, s7  }
0x23e: {  	v9 =	vimm.s32 $0x40000000;
	s13 =	simm.s32 $0x18010;
	p1 =	por $0x0, $0x0;
	p2 =	por $0x0, $0x0  }
0x23f: {  	p3 =	sne.s32 s12, $0x1  }
.Ltmp20:
0x240: {  	_ = 	snop;
	(pc) =	sbr.rel @!p3 .LBB2_21-.Ltmp20, $4  }
0x241: {  	v16 =	vld [tilespmem:s13+$0x0]  }
0x242: {  	vm1 =	vgt.s32 v10, $0x0  }
0x243: {  	v11 =	vnsel vm1, $0x0, v10  }
0x244: {  	s12 =	sadd.s32 $0xFFFFFFFF, s12;
	s17 =	simm.s32 $0x18020;
	p1 =	por $0x1, $0x1;
	v12 =	vmin.u32 v11, $0x7FFF  }
0x245: {  	_ =	sdelay $0x2  }
0x246: {  	vm1 =	vgt.s32 v16, $0x0  }
0x247: {  	v13 =	vld.idx.msk [tilespmem:v12+s6+$0x0], $0xffff;
	p3 =	sne.s32 s12, $0x1;
	v11 =	vnsel vm1, $0x0, v16  }
.Ltmp21:
0x248: {  	v12 =	vmin.u32 v11, $0x7FFF;
	v11 =	vld [tilespmem:s17+$0x0];
	(pc) =	sbr.rel @!p3 .LBB2_23-.Ltmp21, $3  }
0x249: {  	_ =	sdelay $0x1  }
0x24a: {  	s13 =	sadd.s32 $0xFFFFFFFF, s12  }
0x24b: {  	v17 =	vor.u32 s10, v2;
	p2 =	por $0x1, $0x1;
	v14 =	vimm.f32 $-3.000000010e+38;
	v15 =	vimm.s32 $0x40000000;
	s12 =	simm.s32 $0x0;
	s17 =	simm.s32 $0x18030  }
.LBB2_24:
0x24c: {  	v18 =	vld [tilespmem:s17+$0x0];
	vm1 =	vgt.s32 v11, $0x0;
	vm8 =	vlt.s32 v17, v7;
	p3 =	sne.s32 s13, $0x1  }
.Ltmp22:
0x24d: {  	s13 =	sadd.s32 $0xFFFFFFFF, s13;
	v17 =	vnsel vm1, $0x0, v11;
	v19 =	vnsel vm8, $0xFF61B1E6, v13;
	v13 =	vld.idx.msk [tilespmem:v12+s6+$0x0], $0xffff;
	v20 =	vnsel vm8, $0x40000000, v10;
	v10 =	vmovc v16;
	v16 =	vmovc v11;
	(pc) =	sbr.rel @p3 .LBB2_24-.Ltmp22, $4  }
0x24e: {  	v12 =	vmin.u32 v17, $0x7FFF;
	vm1 =	veq.f32 v19, v14;
	vm8 =	vlt.s32 v20, v15  }
0x24f: {  	vm9 =	vgt.f32 v19, v14;
	vm1 =	vmand vm8, vm1  }
0x250: {  	s12 =	sadd.s32 $0x10, s12;
	vm1 =	vmor vm9, vm1  }
0x251: {  	s17 =	sadd.s32 $0x10, s17;
	v17 =	vor.u32 s12, v2;
	v14 =	vsel vm1, v19, v14;
	v15 =	vsel vm1, v20, v15;
	v11 =	vmovc v18  }
0x252: {  	v18 =	vmov v10;
	v10 =	vmov v16  }
.LBB2_26:
0x253: {  	_ =	sdelay $0x2  }
0x254: {  	vm1 =	vlt.s32 @p2 v17, v7  }
0x255: {  	v12 =	vld.idx.msk @p1 [tilespmem:v12+s6+$0x0], $0xffff;
	v13 =	vnsel @p2 vm1, $0xFF61B1E6, v13;
	v16 =	vnsel @p2 vm1, $0x40000000, v18;
	vm1 =	vgt.s32 v11, $0x0  }
0x256: {  	s3 =	sadd.s32 @p2 $0x10, s12;
	s4 =	simm.s32 $0x0;
	vm8 =	veq.f32 @p2 v13, v14;
	vm9 =	vlt.s32 @p2 v16, v15;
	v61 =	vnsel vm1, $0x0, v11  }
0x257: {  	s4 =	smov.u32 @p2 s3;
	vm1 =	vgt.f32 @p2 v13, v14;
	vm8 =	vmand @p2 vm9, vm8;
	v17 =	vmin.u32 v61, $0x7FFF  }
0x258: {  	v10 =	vpsel p1, v10, v0;
	v18 =	vor.u32 @p1 s4, v2;
	vm1 =	vmor @p2 vm1, vm8  }
0x259: {  	v13 =	vsel @p2 vm1, v13, v14;
	v14 =	vsel @p2 vm1, v16, v15;
	v15 =	vpsel p1, v18, v0  }
0x25a: {  	v12 =	vpsel p1, v12, v0;
	v13 =	vpsel p2, v13, v8;
	vm1 =	vlt.s32 @p1 v15, v7  }
0x25b: {  	v14 =	vpsel p2, v14, v9;
	v12 =	vnsel @p1 vm1, $0xFF61B1E6, v12;
	v10 =	vnsel @p1 vm1, $0x40000000, v10  }
0x25c: {  	v62 =	vld.idx.msk [tilespmem:v17+s6+$0x0], $0xffff;
	vm1 =	veq.f32 @p1 v12, v13;
	vm8 =	vlt.s32 @p1 v10, v14  }
0x25d: {  	s3 =	sadd.s32 @p1 $0x10, s4;
	s4 =	simm.s32 $0x0;
	vm9 =	vgt.f32 @p1 v12, v13;
	vm1 =	vmand @p1 vm8, vm1  }
0x25e: {  	s4 =	smov.u32 @p1 s3;
	vm1 =	vmor @p1 vm9, vm1  }
0x25f: {  	v63 =	vor.u32 s4, v2;
	v12 =	vsel @p1 vm1, v12, v13  }
0x260: {  	v10 =	vsel @p1 vm1, v10, v14;
	vm1 =	vlt.s32 v63, v7;
	v8 =	vpsel p1, v12, v8  }
0x261: {  	v9 =	vpsel p1, v10, v9;
	v11 =	vnsel vm1, $0x40000000, v11;
	v10 =	vnsel vm1, $0xFF61B1E6, v62  }
.Ltmp23:
0x262: {  	vm8 =	vlt.s32 v11, v9;
	vm1 =	veq.f32 v10, v8;
	(pc) =	sbr.rel .LBB2_27-.Ltmp23, $4  }
0x263: {  	vm15 =	vgt.f32 v10, v8;
	vm1 =	vmand vm8, vm1  }
0x264: {  	vm1 =	vmor vm15, vm1  }
0x265: {  	v9 =	vsel vm1, v11, v9  }
0x266: {  	v8 =	vsel vm1, v10, v8;
	v9 =	vxor.u32 $0x80000000, v9  }
.LBB2_19:
.Ltmp24:
0x267: {  	(pc) =	sbr.rel .LBB2_26-.Ltmp24, $2  }
0x268: {  	_ =	sdelay $0x2  }
0x269: {  	v14 =	vimm.f32 $-3.000000010e+38;
	v15 =	vimm.s32 $0x40000000;
	s12 =	simm.s32 $0x0;
	v11 =	vmov v10  }
.LBB2_21:
.Ltmp25:
0x26a: {  	(pc) =	sbr.rel .LBB2_26-.Ltmp25, $2  }
0x26b: {  	_ =	sdelay $0x2  }
0x26c: {  	v14 =	vimm.f32 $-3.000000010e+38;
	v15 =	vimm.s32 $0x40000000;
	s12 =	simm.s32 $0x0;
	v11 =	vmov v16  }
.LBB2_23:
.Ltmp26:
0x26d: {  	(pc) =	sbr.rel .LBB2_26-.Ltmp26, $2  }
0x26e: {  	_ =	sdelay $0x2  }
0x26f: {  	v18 =	vmovc v10;
	v10 =	vmov v16;
	v14 =	vimm.f32 $-3.000000010e+38;
	v15 =	vimm.s32 $0x40000000;
	s12 =	simm.s32 $0x0  }
.LBB2_33:
0x270: {  	_ =	sfence.sel $0x180000  }
0x271: {  	[bflag:$0x0] =	sbarrier.arrive $0xFFFF  }
0x272: {  	_ =	strace $0x90000047  }
0x273: {  	s0 =	stileid.u32;
	[bflag:$0x2] =	sbarrier.arrive $0xFFFF  }
0x274: {  	p0 =	sne.s32 s0, $0x0;
	s0 =	rddreg [dreg:$0x5]  }
0x275: {  	s0 =	sadd.s32 @!p0 $0x100000, s0  }
0x276: {  	[sflag:s0] =	ssyncadd.tile.s32 @!p0 $0x1;
	_ =	shalt  }
.Lfunc_end2:
_tile_overlayer_lowered:
.L_overlay_start_2:
0x277: {  	(tag) =	ssettag $0x2  }
0x278: {  	s0 =	rddreg [dreg:$0x0];
	s2 =	stileid.u32  }
0x279: {  	s1 =	rddreg [dreg:$0x1];
	p0 =	sne.s32 s2, $0x0  }
0x27a: {  	s3 =	rddreg [dreg:$0x2];
	[bflag:$0x3] =	sbarrier.arrive $0xFFFF;
	s2 =	simm.s32 @!p0 $0x1C06  }
0x27b: {  	[timem:s3], [sflag:s2] =	dma.local @!p0 [hbm:s0], s1  }
0x27c: {  	s0 =	simm.s32 @!p0 $0x6  }
0x27d: {  	_ =	swait.ge @!p0 [sflag:s0], s1  }
0x27e: {  	s1 =	ssub.s32 @!p0 $0x0, s1;
	[sflag:s0] =	ssyncset.done @!p0 $0x0  }
0x27f: {  	[sflag:s0] =	ssyncadd.s32 @!p0 s1  }
0x280: {  	[bflag:$0x3] =	sbarrier.arrive $0xFFFF  }
0x281: {  	_ =	shalt  }

</sc_bundles>
